<compile_context>
chip_gen: v7x
topology: tpu7x:2x2x1
jax: 0.10.2.dev20260603
libtpu: 0.0.44.dev20260713+nightly
codegen_flags: <defaults>
</compile_context>

<pallas_src>
import functools

import jax
import jax.numpy as jnp
from jax.experimental import pallas as pl
from jax.experimental.pallas import tpu as pltpu
from jax.experimental.pallas import tpu_sc as plsc

T, D, H, O, E, K = 1024, 1024, 512, 1024, 64, 2
NSLOT = K * T
RB = 128
CH = T // RB
NROWS = NSLOT + E * 8 + RB
NW = 32
TPW = T // NW


def _route_kernel(x_ref, wg_ref, bg_ref,
                  pos0_ref, pos1_ref, w0_ref, w1_ref,
                  start_ref, cnt_ref, aux_ref):
    x = x_ref[...]
    logits = jnp.dot(x, wg_ref[...], preferred_element_type=jnp.float32)
    logits = logits + bg_ref[...]
    m = jnp.max(logits, axis=-1, keepdims=True)
    p = jnp.exp(logits - m)
    probs = p / jnp.sum(p, axis=-1, keepdims=True)

    lane = jax.lax.broadcasted_iota(jnp.int32, (T, E), 1)
    m1 = jnp.max(probs, axis=-1, keepdims=True)
    i1 = jnp.min(jnp.where(probs == m1, lane, E), axis=-1, keepdims=True)
    probs2 = jnp.where(lane == i1, -1.0, probs)
    m2 = jnp.max(probs2, axis=-1, keepdims=True)
    i2 = jnp.min(jnp.where(probs2 == m2, lane, E), axis=-1, keepdims=True)
    s = m1 + m2
    w0_ref[...] = m1 / s
    w1_ref[...] = m2 / s

    e_flat = jnp.concatenate([i1, i2], axis=0)
    lane2 = jax.lax.broadcasted_iota(jnp.int32, (NSLOT, E), 1)
    onehot = (lane2 == e_flat).astype(jnp.float32)
    counts = jnp.sum(onehot, axis=0, keepdims=True)

    counts_i = counts.astype(jnp.int32)
    pcnt = ((counts_i + 7) // 8) * 8
    r64 = jax.lax.broadcasted_iota(jnp.int32, (E, E), 0)
    c64 = jax.lax.broadcasted_iota(jnp.int32, (E, E), 1)
    lower64 = (r64 < c64).astype(jnp.float32)
    starts = jnp.dot(pcnt.astype(jnp.float32), lower64,
                     preferred_element_type=jnp.float32)

    oh0 = onehot[:T]
    oh1 = onehot[T:]
    rT = jax.lax.broadcasted_iota(jnp.int32, (T, T), 0)
    cT = jax.lax.broadcasted_iota(jnp.int32, (T, T), 1)
    trilT = (rT > cT).astype(jnp.float32)
    before0 = jnp.dot(trilT, oh0, preferred_element_type=jnp.float32)
    counts0 = jnp.sum(oh0, axis=0, keepdims=True)
    before1 = counts0 + jnp.dot(trilT, oh1, preferred_element_type=jnp.float32)
    before = jnp.concatenate([before0, before1], axis=0)
    rank = jnp.sum(before * onehot, axis=-1, keepdims=True)

    start_per_slot = jnp.dot(onehot, starts.T,
                             preferred_element_type=jnp.float32)
    pos_flat = (start_per_slot + rank).astype(jnp.int32)
    pos0_ref[...] = pos_flat[:T]
    pos1_ref[...] = pos_flat[T:]
    start_ref[...] = starts.astype(jnp.int32)
    cnt_ref[...] = counts_i

    imp = jnp.sum(probs, axis=0, keepdims=True)
    imp_mu = jnp.mean(imp)
    imp_var = jnp.sum((imp - imp_mu) ** 2) / (E - 1)
    imp_loss = imp_var / (imp_mu + 1e-6) ** 2
    load = counts / T
    load_mu = jnp.mean(load)
    load_var = jnp.sum((load - load_mu) ** 2) / (E - 1)
    load_loss = load_var / (load_mu + 1e-6) ** 2
    aux_ref[...] = jnp.full((1, 1), imp_loss + load_loss, dtype=jnp.float32)


def _sc_dispatch(pos0_hbm, pos1_hbm, x_hbm, xs_hbm, idx0_v, idx1_v, rows_v, sem):
    wid = jax.lax.axis_index("s") * 2 + jax.lax.axis_index("c")
    base = wid * TPW
    pltpu.sync_copy(pos0_hbm.at[pl.ds(base, TPW)], idx0_v)
    pltpu.sync_copy(pos1_hbm.at[pl.ds(base, TPW)], idx1_v)
    pltpu.sync_copy(x_hbm.at[pl.ds(base, TPW)], rows_v)
    pltpu.async_copy(rows_v, xs_hbm.at[idx0_v], sem).wait()
    pltpu.async_copy(rows_v, xs_hbm.at[idx1_v], sem).wait()


def _sc_combine(pos0_hbm, pos1_hbm, y_hbm, y0_hbm, y1_hbm,
                idx_v, rows0_v, rows1_v, sem0, sem1):
    wid = jax.lax.axis_index("s") * 2 + jax.lax.axis_index("c")
    base = wid * TPW
    pltpu.sync_copy(pos0_hbm.at[pl.ds(base, TPW)], idx_v)
    cp0 = pltpu.async_copy(y_hbm.at[idx_v], rows0_v, sem0)
    cp0.wait()
    pltpu.sync_copy(pos1_hbm.at[pl.ds(base, TPW)], idx_v)
    cp1 = pltpu.async_copy(y_hbm.at[idx_v], rows1_v, sem1)
    cp1.wait()
    pltpu.sync_copy(rows0_v, y0_hbm.at[pl.ds(base, TPW)])
    pltpu.sync_copy(rows1_v, y1_hbm.at[pl.ds(base, TPW)])


NSPL = 4
DS = D // NSPL
HS = H // NSPL


def _ffn_kernel(start_ref, cnt_ref, xs_ref,
                w1a_ref, w1b_ref, w1c_ref, w1d_ref,
                b1_ref, g_ref, bb_ref,
                w2a_ref, w2b_ref, w2c_ref, w2d_ref,
                b2_ref, y_ref):
    e = pl.program_id(0)
    j = pl.program_id(1)
    st = pl.multiple_of(start_ref[e], 8)
    cn = cnt_ref[e]

    @pl.when(j * RB < cn)
    def _():
        base = st + j * RB
        xs = xs_ref[pl.ds(base, RB), :]
        h = jnp.dot(xs[:, 0 * DS:1 * DS], w1a_ref[0, 0],
                    preferred_element_type=jnp.float32)
        h += jnp.dot(xs[:, 1 * DS:2 * DS], w1b_ref[0, 0],
                     preferred_element_type=jnp.float32)
        h += jnp.dot(xs[:, 2 * DS:3 * DS], w1c_ref[0, 0],
                     preferred_element_type=jnp.float32)
        h += jnp.dot(xs[:, 3 * DS:4 * DS], w1d_ref[0, 0],
                     preferred_element_type=jnp.float32)
        h = h + b1_ref[0]
        mu = jnp.mean(h, axis=-1, keepdims=True)
        var = jnp.mean((h - mu) ** 2, axis=-1, keepdims=True)
        h = (h - mu) * jax.lax.rsqrt(var + 1e-5) * g_ref[0] + bb_ref[0]
        h = 0.5 * h * (1.0 + jax.lax.erf(h * (2.0 ** -0.5)))
        y = jnp.dot(h[:, 0 * HS:1 * HS], w2a_ref[0, 0],
                    preferred_element_type=jnp.float32)
        y += jnp.dot(h[:, 1 * HS:2 * HS], w2b_ref[0, 0],
                     preferred_element_type=jnp.float32)
        y += jnp.dot(h[:, 2 * HS:3 * HS], w2c_ref[0, 0],
                     preferred_element_type=jnp.float32)
        y += jnp.dot(h[:, 3 * HS:4 * HS], w2d_ref[0, 0],
                     preferred_element_type=jnp.float32)
        y_ref[pl.ds(base, RB), :] = y + b2_ref[0]


def _finalize_kernel(w0_ref, w1_ref, y0_ref, y1_ref, og_ref, ob_ref, out_ref):
    comb = w0_ref[...] * y0_ref[...] + w1_ref[...] * y1_ref[...]
    mu = jnp.mean(comb, axis=-1, keepdims=True)
    var = jnp.mean((comb - mu) ** 2, axis=-1, keepdims=True)
    out_ref[...] = ((comb - mu) * jax.lax.rsqrt(var + 1e-5) * og_ref[...]
                    + ob_ref[...])


def kernel(x, Wg, bg, W1, b1, ln_g, ln_b, W2, b2, out_g, out_b):
    f32, i32 = jnp.float32, jnp.int32
    pos0, pos1, w0, w1, start, cnt, aux = pl.pallas_call(
        _route_kernel,
        out_shape=(
            jax.ShapeDtypeStruct((T, 1), i32),
            jax.ShapeDtypeStruct((T, 1), i32),
            jax.ShapeDtypeStruct((T, 1), f32),
            jax.ShapeDtypeStruct((T, 1), f32),
            jax.ShapeDtypeStruct((1, E), i32),
            jax.ShapeDtypeStruct((1, E), i32),
            jax.ShapeDtypeStruct((1, 1), f32),
        ),
    )(x, Wg, bg.reshape(1, E))

    sc_mesh = plsc.VectorSubcoreMesh(core_axis_name="c", subcore_axis_name="s")
    pos0_1d = pos0.reshape(T)
    pos1_1d = pos1.reshape(T)
    xs = pl.kernel(
        _sc_dispatch,
        mesh=sc_mesh,
        out_type=jax.ShapeDtypeStruct((NROWS, D), f32),
        scratch_types=[
            pltpu.VMEM((TPW,), i32),
            pltpu.VMEM((TPW,), i32),
            pltpu.VMEM((TPW, D), f32),
            pltpu.SemaphoreType.DMA,
        ],
    )(pos0_1d, pos1_1d, x)

    w1q = W1.reshape(E, NSPL, DS, H)
    w2q = W2.reshape(E, NSPL, HS, O)
    w1_spec = [
        pl.BlockSpec((1, 1, DS, H),
                     functools.partial(lambda q, e, j, s, c: (e, q, 0, 0), q))
        for q in range(NSPL)
    ]
    w2_spec = [
        pl.BlockSpec((1, 1, HS, O),
                     functools.partial(lambda q, e, j, s, c: (e, q, 0, 0), q))
        for q in range(NSPL)
    ]
    grid_spec = pltpu.PrefetchScalarGridSpec(
        num_scalar_prefetch=2,
        grid=(E, CH),
        in_specs=[
            pl.BlockSpec((NROWS, D), lambda e, j, s, c: (0, 0)),
            *w1_spec,
            pl.BlockSpec((1, 1, H), lambda e, j, s, c: (e, 0, 0)),
            pl.BlockSpec((1, 1, H), lambda e, j, s, c: (e, 0, 0)),
            pl.BlockSpec((1, 1, H), lambda e, j, s, c: (e, 0, 0)),
            *w2_spec,
            pl.BlockSpec((1, 1, O), lambda e, j, s, c: (e, 0, 0)),
        ],
        out_specs=pl.BlockSpec((NROWS, O), lambda e, j, s, c: (0, 0)),
    )
    y = pl.pallas_call(
        _ffn_kernel,
        grid_spec=grid_spec,
        out_shape=jax.ShapeDtypeStruct((NROWS, O), f32),
    )(start.reshape(E), cnt.reshape(E), xs,
      w1q, w1q, w1q, w1q,
      b1.reshape(E, 1, H), ln_g.reshape(E, 1, H), ln_b.reshape(E, 1, H),
      w2q, w2q, w2q, w2q,
      b2.reshape(E, 1, O))

    y0u, y1u = pl.kernel(
        _sc_combine,
        mesh=sc_mesh,
        out_type=(
            jax.ShapeDtypeStruct((T, O), f32),
            jax.ShapeDtypeStruct((T, O), f32),
        ),
        scratch_types=[
            pltpu.VMEM((TPW,), i32),
            pltpu.VMEM((TPW, O), f32),
            pltpu.VMEM((TPW, O), f32),
            pltpu.SemaphoreType.DMA,
            pltpu.SemaphoreType.DMA,
        ],
    )(pos0_1d, pos1_1d, y)

    out = pl.pallas_call(
        _finalize_kernel,
        out_shape=jax.ShapeDtypeStruct((T, O), f32),
    )(w0, w1, y0u, y1u, out_g.reshape(1, O), out_b.reshape(1, O))

    return out, aux.reshape(())

# --- scband reference (transcript-rebuilt; emitter-appended) ---
"""Pipeline reference for scband-gene-env-attention-model-with-mo-e-15006615734197 (READ-ONLY COPY).

The authoritative reference and input builder live on the scoring server;
editing this copy changes nothing except your own understanding.
"""

import jax, jax.numpy as jnp
import numpy as np

T = 1024
D = 1024
H = 512
O = 1024
E = 64
K = 2


def setup_inputs(seed: int = 0) -> dict:
    key = jax.random.key(seed)
    ks = jax.random.split(key, 8)
    x = jax.random.normal(ks[0], (T, D), dtype=jnp.float32)
    Wg = jax.random.normal(ks[1], (D, E), dtype=jnp.float32) * 0.02
    bg = jnp.zeros((E,), dtype=jnp.float32)
    W1 = jax.random.normal(ks[2], (E, D, H), dtype=jnp.float32) * 0.02
    b1 = jnp.zeros((E, H), dtype=jnp.float32)
    ln_g = jnp.ones((E, H), dtype=jnp.float32)
    ln_b = jnp.zeros((E, H), dtype=jnp.float32)
    W2 = jax.random.normal(ks[3], (E, H, O), dtype=jnp.float32) * 0.02
    b2 = jnp.zeros((E, O), dtype=jnp.float32)
    out_g = jnp.ones((O,), dtype=jnp.float32)
    out_b = jnp.zeros((O,), dtype=jnp.float32)
    return {"x": x, "Wg": Wg, "bg": bg, "W1": W1, "b1": b1, "ln_g": ln_g, "ln_b": ln_b, "W2": W2, "b2": b2, "out_g": out_g, "out_b": out_b}


def _layer_norm(h, g, b, eps=1e-5):
    mu = h.mean(axis=-1, keepdims=True)
    var = ((h - mu) ** 2).mean(axis=-1, keepdims=True)
    return (h - mu) / jnp.sqrt(var + eps) * g + b


def reference(x, Wg, bg, W1, b1, ln_g, ln_b, W2, b2, out_g, out_b):
    T_ = x.shape[0]
    # GatingNetwork
    logits = x @ Wg + bg
    probs = jax.nn.softmax(logits, axis=-1)
    topw, topi = jax.lax.top_k(probs, K)
    topw = topw / jnp.sum(topw, axis=-1, keepdims=True)
    mask = jnp.zeros_like(probs).at[jnp.arange(T_)[:, None], topi].set(1.0)
    # dispatch (faithful to torch per-expert loop with index_add)
    flat_idx = topi.reshape(-1)
    flat_w = topw.reshape(-1, 1)
    flat_x = jnp.repeat(x, K, axis=0)
    out = jnp.zeros((T_, O), dtype=x.dtype)

    def _expert_step(out, inp):
        i, W1i, b1i, gi, bi, W2i, b2i = inp
        h = flat_x @ W1i + b1i
        h = _layer_norm(h, gi, bi)
        h = jax.nn.gelu(h, approximate=False)
        y = h @ W2i + b2i
        y = y * flat_w
        sel = (flat_idx == i).astype(x.dtype)[:, None]
        contrib = (y * sel).reshape(T_, K, O).sum(axis=1)
        return out + contrib, None

    out, _ = jax.lax.scan(
        _expert_step, out,
        (jnp.arange(E), W1, b1, ln_g, ln_b, W2, b2),
    )
    # aux loss (torch .std is unbiased -> ddof=1)
    importance = probs.sum(axis=0)
    imp_loss = (jnp.std(importance, ddof=1) / (importance.mean() + 1e-6)) ** 2
    load = mask.mean(axis=0)
    load_loss = (jnp.std(load, ddof=1) / (load.mean() + 1e-6)) ** 2
    aux = imp_loss + load_loss
    out = _layer_norm(out, out_g, out_b)
    return (out, aux)

if __name__ == "__main__":
    import jax
    _d = setup_inputs()
    print(jax.jit(kernel)(*tuple(_d.values())))

</pallas_src>

<mosaic_0001>
#map = affine_map<(d0, d1) -> (0)>
#map1 = affine_map<(d0, d1) -> (0, 0)>
module attributes {stable_mosaic.version = 14 : i64} {
  func.func @_sc_dispatch(%arg0: i32, %arg1: i32, %arg2: memref<1024xi32, #tpu.memory_space<hbm>>, %arg3: memref<1024xi32, #tpu.memory_space<hbm>>, %arg4: memref<1024x1024xf32, #tpu.memory_space<hbm>>, %arg5: memref<2688x1024xf32, #tpu.memory_space<hbm>>, %arg6: memref<32xi32, #tpu.memory_space<vmem>>, %arg7: memref<32xi32, #tpu.memory_space<vmem>>, %arg8: memref<32x1024xf32, #tpu.memory_space<vmem>>, %arg9: memref<!tpu.dma_semaphore, #tpu.memory_space<semaphore_mem>>) attributes {dimension_semantics = [#tpu.dimension_semantics<core_parallel>, #tpu.dimension_semantics<subcore_parallel>], iteration_bounds = array<i64: 2, 16>, scalar_prefetch = 0 : i64, scratch_operands = 4 : i64, tpu.core_type = #tpu.core_type<sc_vector_subcore>, window_params = [{transform_indices = #map}, {transform_indices = #map}, {transform_indices = #map1}, {transform_indices = #map1}]} {
    %mul3A = arith.constant 2 : i32
    %mul3A_0 = arith.muli %arg1, %mul3A : i32
    %add3A = arith.addi %mul3A_0, %arg0 : i32
    %mul3A_1 = arith.constant 32 : i32
    %mul3A_2 = arith.muli %add3A, %mul3A_1 : i32
    "tpu.region"() ({
      %run_scoped3A = tpu.sem_alloc : memref<!tpu.dma_semaphore, #tpu.memory_space<semaphore_mem>>
      %dma_start3A_13 = tpu.memref_slice %arg2[%mul3A_2] : memref<1024xi32, #tpu.memory_space<hbm>> -> memref<32xi32, #tpu.memory_space<hbm>>
      %dma_start3A_14 = tpu.memref_slice %arg2[%mul3A_2] : memref<1024xi32, #tpu.memory_space<hbm>> -> memref<32xi32, #tpu.memory_space<hbm>>
      tpu.enqueue_dma source(%dma_start3A_14 : memref<32xi32, #tpu.memory_space<hbm>>) target(%arg6 : memref<32xi32, #tpu.memory_space<vmem>>) target_semaphore(%run_scoped3A : memref<!tpu.dma_semaphore, #tpu.memory_space<semaphore_mem>>)
      %dma_wait3A_15 = tpu.memref_slice %arg2[%mul3A_2] : memref<1024xi32, #tpu.memory_space<hbm>> -> memref<32xi32, #tpu.memory_space<hbm>>
      %dma_wait3A_16 = tpu.memref_slice %arg2[%mul3A_2] : memref<1024xi32, #tpu.memory_space<hbm>> -> memref<32xi32, #tpu.memory_space<hbm>>
      tpu.wait_dma2 semaphore(%run_scoped3A : memref<!tpu.dma_semaphore, #tpu.memory_space<semaphore_mem>>) src(%dma_wait3A_16 : memref<32xi32, #tpu.memory_space<hbm>>) dst(%arg6 : memref<32xi32, #tpu.memory_space<vmem>>)
      tpu.yield
    }) : () -> ()
    "tpu.region"() ({
      %run_scoped3A = tpu.sem_alloc : memref<!tpu.dma_semaphore, #tpu.memory_space<semaphore_mem>>
      %dma_start3A_13 = tpu.memref_slice %arg3[%mul3A_2] : memref<1024xi32, #tpu.memory_space<hbm>> -> memref<32xi32, #tpu.memory_space<hbm>>
      %dma_start3A_14 = tpu.memref_slice %arg3[%mul3A_2] : memref<1024xi32, #tpu.memory_space<hbm>> -> memref<32xi32, #tpu.memory_space<hbm>>
      tpu.enqueue_dma source(%dma_start3A_14 : memref<32xi32, #tpu.memory_space<hbm>>) target(%arg7 : memref<32xi32, #tpu.memory_space<vmem>>) target_semaphore(%run_scoped3A : memref<!tpu.dma_semaphore, #tpu.memory_space<semaphore_mem>>)
      %dma_wait3A_15 = tpu.memref_slice %arg3[%mul3A_2] : memref<1024xi32, #tpu.memory_space<hbm>> -> memref<32xi32, #tpu.memory_space<hbm>>
      %dma_wait3A_16 = tpu.memref_slice %arg3[%mul3A_2] : memref<1024xi32, #tpu.memory_space<hbm>> -> memref<32xi32, #tpu.memory_space<hbm>>
      tpu.wait_dma2 semaphore(%run_scoped3A : memref<!tpu.dma_semaphore, #tpu.memory_space<semaphore_mem>>) src(%dma_wait3A_16 : memref<32xi32, #tpu.memory_space<hbm>>) dst(%arg7 : memref<32xi32, #tpu.memory_space<vmem>>)
      tpu.yield
    }) : () -> ()
    "tpu.region"() ({
      %run_scoped3A = tpu.sem_alloc : memref<!tpu.dma_semaphore, #tpu.memory_space<semaphore_mem>>
      %dma_start3A_13 = arith.constant 0 : i32
      %dma_start3A_14 = tpu.memref_slice %arg4[%mul3A_2, %dma_start3A_13] : memref<1024x1024xf32, #tpu.memory_space<hbm>> -> memref<32x1024xf32, #tpu.memory_space<hbm>>
      %dma_start3A_15 = arith.constant 0 : i32
      %dma_start3A_16 = tpu.memref_slice %arg4[%mul3A_2, %dma_start3A_15] : memref<1024x1024xf32, #tpu.memory_space<hbm>> -> memref<32x1024xf32, #tpu.memory_space<hbm>>
      tpu.enqueue_dma source(%dma_start3A_16 : memref<32x1024xf32, #tpu.memory_space<hbm>>) target(%arg8 : memref<32x1024xf32, #tpu.memory_space<vmem>>) target_semaphore(%run_scoped3A : memref<!tpu.dma_semaphore, #tpu.memory_space<semaphore_mem>>)
      %dma_wait3A_17 = arith.constant 0 : i32
      %dma_wait3A_18 = tpu.memref_slice %arg4[%mul3A_2, %dma_wait3A_17] : memref<1024x1024xf32, #tpu.memory_space<hbm>> -> memref<32x1024xf32, #tpu.memory_space<hbm>>
      %dma_wait3A_19 = arith.constant 0 : i32
      %dma_wait3A_20 = tpu.memref_slice %arg4[%mul3A_2, %dma_wait3A_19] : memref<1024x1024xf32, #tpu.memory_space<hbm>> -> memref<32x1024xf32, #tpu.memory_space<hbm>>
      tpu.wait_dma2 semaphore(%run_scoped3A : memref<!tpu.dma_semaphore, #tpu.memory_space<semaphore_mem>>) src(%dma_wait3A_20 : memref<32x1024xf32, #tpu.memory_space<hbm>>) dst(%arg8 : memref<32x1024xf32, #tpu.memory_space<vmem>>)
      tpu.yield
    }) : () -> ()
    %dma_start3A = arith.constant 0 : i32
    %dma_start3A_3 = arith.constant 0 : i32
    %dma_start3A_4 = tpu.memref_slice %arg5[%dma_start3A, %dma_start3A_3] : memref<2688x1024xf32, #tpu.memory_space<hbm>> -> memref<2688x1024xf32, #tpu.memory_space<hbm>>
    tpu.enqueue_indirect_dma source(%arg8 : memref<32x1024xf32, #tpu.memory_space<vmem>>) target(%dma_start3A_4 : memref<2688x1024xf32, #tpu.memory_space<hbm>>) offsets(%arg6 : memref<32xi32, #tpu.memory_space<vmem>>) semaphore(%arg9 : memref<!tpu.dma_semaphore, #tpu.memory_space<semaphore_mem>>)
    %dma_wait3A = arith.constant 0 : i32
    %dma_wait3A_5 = arith.constant 0 : i32
    %dma_wait3A_6 = tpu.memref_slice %arg5[%dma_wait3A, %dma_wait3A_5] : memref<2688x1024xf32, #tpu.memory_space<hbm>> -> memref<2688x1024xf32, #tpu.memory_space<hbm>>
    tpu.wait_indirect_dma semaphore(%arg9 : memref<!tpu.dma_semaphore, #tpu.memory_space<semaphore_mem>>) src(%arg8 : memref<32x1024xf32, #tpu.memory_space<vmem>>) dst(%dma_wait3A_6 : memref<2688x1024xf32, #tpu.memory_space<hbm>>)
    %dma_start3A_7 = arith.constant 0 : i32
    %dma_start3A_8 = arith.constant 0 : i32
    %dma_start3A_9 = tpu.memref_slice %arg5[%dma_start3A_7, %dma_start3A_8] : memref<2688x1024xf32, #tpu.memory_space<hbm>> -> memref<2688x1024xf32, #tpu.memory_space<hbm>>
    tpu.enqueue_indirect_dma source(%arg8 : memref<32x1024xf32, #tpu.memory_space<vmem>>) target(%dma_start3A_9 : memref<2688x1024xf32, #tpu.memory_space<hbm>>) offsets(%arg7 : memref<32xi32, #tpu.memory_space<vmem>>) semaphore(%arg9 : memref<!tpu.dma_semaphore, #tpu.memory_space<semaphore_mem>>)
    %dma_wait3A_10 = arith.constant 0 : i32
    %dma_wait3A_11 = arith.constant 0 : i32
    %dma_wait3A_12 = tpu.memref_slice %arg5[%dma_wait3A_10, %dma_wait3A_11] : memref<2688x1024xf32, #tpu.memory_space<hbm>> -> memref<2688x1024xf32, #tpu.memory_space<hbm>>
    tpu.wait_indirect_dma semaphore(%arg9 : memref<!tpu.dma_semaphore, #tpu.memory_space<semaphore_mem>>) src(%arg8 : memref<32x1024xf32, #tpu.memory_space<vmem>>) dst(%dma_wait3A_12 : memref<2688x1024xf32, #tpu.memory_space<hbm>>)
    return
  }
}

#map = affine_map<(d0, d1) -> (0)>
#map1 = affine_map<(d0, d1) -> (0, 0)>
module attributes {stable_mosaic.version = 14 : i64} {
  func.func @_sc_combine(%arg0: i32, %arg1: i32, %arg2: memref<1024xi32, #tpu.memory_space<hbm>>, %arg3: memref<1024xi32, #tpu.memory_space<hbm>>, %arg4: memref<2688x1024xf32, #tpu.memory_space<hbm>>, %arg5: memref<1024x1024xf32, #tpu.memory_space<hbm>>, %arg6: memref<1024x1024xf32, #tpu.memory_space<hbm>>, %arg7: memref<32xi32, #tpu.memory_space<vmem>>, %arg8: memref<32x1024xf32, #tpu.memory_space<vmem>>, %arg9: memref<32x1024xf32, #tpu.memory_space<vmem>>, %arg10: memref<!tpu.dma_semaphore, #tpu.memory_space<semaphore_mem>>, %arg11: memref<!tpu.dma_semaphore, #tpu.memory_space<semaphore_mem>>) attributes {dimension_semantics = [#tpu.dimension_semantics<core_parallel>, #tpu.dimension_semantics<subcore_parallel>], iteration_bounds = array<i64: 2, 16>, scalar_prefetch = 0 : i64, scratch_operands = 5 : i64, tpu.core_type = #tpu.core_type<sc_vector_subcore>, window_params = [{transform_indices = #map}, {transform_indices = #map}, {transform_indices = #map1}, {transform_indices = #map1}, {transform_indices = #map1}]} {
    %mul3A = arith.constant 2 : i32
    %mul3A_0 = arith.muli %arg1, %mul3A : i32
    %add3A = arith.addi %mul3A_0, %arg0 : i32
    %mul3A_1 = arith.constant 32 : i32
    %mul3A_2 = arith.muli %add3A, %mul3A_1 : i32
    "tpu.region"() ({
      %run_scoped3A = tpu.sem_alloc : memref<!tpu.dma_semaphore, #tpu.memory_space<semaphore_mem>>
      %dma_start3A_13 = tpu.memref_slice %arg2[%mul3A_2] : memref<1024xi32, #tpu.memory_space<hbm>> -> memref<32xi32, #tpu.memory_space<hbm>>
      %dma_start3A_14 = tpu.memref_slice %arg2[%mul3A_2] : memref<1024xi32, #tpu.memory_space<hbm>> -> memref<32xi32, #tpu.memory_space<hbm>>
      tpu.enqueue_dma source(%dma_start3A_14 : memref<32xi32, #tpu.memory_space<hbm>>) target(%arg7 : memref<32xi32, #tpu.memory_space<vmem>>) target_semaphore(%run_scoped3A : memref<!tpu.dma_semaphore, #tpu.memory_space<semaphore_mem>>)
      %dma_wait3A_15 = tpu.memref_slice %arg2[%mul3A_2] : memref<1024xi32, #tpu.memory_space<hbm>> -> memref<32xi32, #tpu.memory_space<hbm>>
      %dma_wait3A_16 = tpu.memref_slice %arg2[%mul3A_2] : memref<1024xi32, #tpu.memory_space<hbm>> -> memref<32xi32, #tpu.memory_space<hbm>>
      tpu.wait_dma2 semaphore(%run_scoped3A : memref<!tpu.dma_semaphore, #tpu.memory_space<semaphore_mem>>) src(%dma_wait3A_16 : memref<32xi32, #tpu.memory_space<hbm>>) dst(%arg7 : memref<32xi32, #tpu.memory_space<vmem>>)
      tpu.yield
    }) : () -> ()
    %dma_start3A = arith.constant 0 : i32
    %dma_start3A_3 = arith.constant 0 : i32
    %dma_start3A_4 = tpu.memref_slice %arg4[%dma_start3A, %dma_start3A_3] : memref<2688x1024xf32, #tpu.memory_space<hbm>> -> memref<2688x1024xf32, #tpu.memory_space<hbm>>
    tpu.enqueue_indirect_dma source(%dma_start3A_4 : memref<2688x1024xf32, #tpu.memory_space<hbm>>) target(%arg8 : memref<32x1024xf32, #tpu.memory_space<vmem>>) offsets(%arg7 : memref<32xi32, #tpu.memory_space<vmem>>) semaphore(%arg10 : memref<!tpu.dma_semaphore, #tpu.memory_space<semaphore_mem>>)
    %dma_wait3A = arith.constant 0 : i32
    %dma_wait3A_5 = arith.constant 0 : i32
    %dma_wait3A_6 = tpu.memref_slice %arg4[%dma_wait3A, %dma_wait3A_5] : memref<2688x1024xf32, #tpu.memory_space<hbm>> -> memref<2688x1024xf32, #tpu.memory_space<hbm>>
    tpu.wait_indirect_dma semaphore(%arg10 : memref<!tpu.dma_semaphore, #tpu.memory_space<semaphore_mem>>) src(%dma_wait3A_6 : memref<2688x1024xf32, #tpu.memory_space<hbm>>) dst(%arg8 : memref<32x1024xf32, #tpu.memory_space<vmem>>)
    "tpu.region"() ({
      %run_scoped3A = tpu.sem_alloc : memref<!tpu.dma_semaphore, #tpu.memory_space<semaphore_mem>>
      %dma_start3A_13 = tpu.memref_slice %arg3[%mul3A_2] : memref<1024xi32, #tpu.memory_space<hbm>> -> memref<32xi32, #tpu.memory_space<hbm>>
      %dma_start3A_14 = tpu.memref_slice %arg3[%mul3A_2] : memref<1024xi32, #tpu.memory_space<hbm>> -> memref<32xi32, #tpu.memory_space<hbm>>
      tpu.enqueue_dma source(%dma_start3A_14 : memref<32xi32, #tpu.memory_space<hbm>>) target(%arg7 : memref<32xi32, #tpu.memory_space<vmem>>) target_semaphore(%run_scoped3A : memref<!tpu.dma_semaphore, #tpu.memory_space<semaphore_mem>>)
      %dma_wait3A_15 = tpu.memref_slice %arg3[%mul3A_2] : memref<1024xi32, #tpu.memory_space<hbm>> -> memref<32xi32, #tpu.memory_space<hbm>>
      %dma_wait3A_16 = tpu.memref_slice %arg3[%mul3A_2] : memref<1024xi32, #tpu.memory_space<hbm>> -> memref<32xi32, #tpu.memory_space<hbm>>
      tpu.wait_dma2 semaphore(%run_scoped3A : memref<!tpu.dma_semaphore, #tpu.memory_space<semaphore_mem>>) src(%dma_wait3A_16 : memref<32xi32, #tpu.memory_space<hbm>>) dst(%arg7 : memref<32xi32, #tpu.memory_space<vmem>>)
      tpu.yield
    }) : () -> ()
    %dma_start3A_7 = arith.constant 0 : i32
    %dma_start3A_8 = arith.constant 0 : i32
    %dma_start3A_9 = tpu.memref_slice %arg4[%dma_start3A_7, %dma_start3A_8] : memref<2688x1024xf32, #tpu.memory_space<hbm>> -> memref<2688x1024xf32, #tpu.memory_space<hbm>>
    tpu.enqueue_indirect_dma source(%dma_start3A_9 : memref<2688x1024xf32, #tpu.memory_space<hbm>>) target(%arg9 : memref<32x1024xf32, #tpu.memory_space<vmem>>) offsets(%arg7 : memref<32xi32, #tpu.memory_space<vmem>>) semaphore(%arg11 : memref<!tpu.dma_semaphore, #tpu.memory_space<semaphore_mem>>)
    %dma_wait3A_10 = arith.constant 0 : i32
    %dma_wait3A_11 = arith.constant 0 : i32
    %dma_wait3A_12 = tpu.memref_slice %arg4[%dma_wait3A_10, %dma_wait3A_11] : memref<2688x1024xf32, #tpu.memory_space<hbm>> -> memref<2688x1024xf32, #tpu.memory_space<hbm>>
    tpu.wait_indirect_dma semaphore(%arg11 : memref<!tpu.dma_semaphore, #tpu.memory_space<semaphore_mem>>) src(%dma_wait3A_12 : memref<2688x1024xf32, #tpu.memory_space<hbm>>) dst(%arg9 : memref<32x1024xf32, #tpu.memory_space<vmem>>)
    "tpu.region"() ({
      %run_scoped3A = tpu.sem_alloc : memref<!tpu.dma_semaphore, #tpu.memory_space<semaphore_mem>>
      %dma_start3A_13 = arith.constant 0 : i32
      %dma_start3A_14 = tpu.memref_slice %arg5[%mul3A_2, %dma_start3A_13] : memref<1024x1024xf32, #tpu.memory_space<hbm>> -> memref<32x1024xf32, #tpu.memory_space<hbm>>
      %dma_start3A_15 = arith.constant 0 : i32
      %dma_start3A_16 = tpu.memref_slice %arg5[%mul3A_2, %dma_start3A_15] : memref<1024x1024xf32, #tpu.memory_space<hbm>> -> memref<32x1024xf32, #tpu.memory_space<hbm>>
      tpu.enqueue_dma source(%arg8 : memref<32x1024xf32, #tpu.memory_space<vmem>>) target(%dma_start3A_16 : memref<32x1024xf32, #tpu.memory_space<hbm>>) target_semaphore(%run_scoped3A : memref<!tpu.dma_semaphore, #tpu.memory_space<semaphore_mem>>)
      %dma_wait3A_17 = arith.constant 0 : i32
      %dma_wait3A_18 = tpu.memref_slice %arg5[%mul3A_2, %dma_wait3A_17] : memref<1024x1024xf32, #tpu.memory_space<hbm>> -> memref<32x1024xf32, #tpu.memory_space<hbm>>
      %dma_wait3A_19 = arith.constant 0 : i32
      %dma_wait3A_20 = tpu.memref_slice %arg5[%mul3A_2, %dma_wait3A_19] : memref<1024x1024xf32, #tpu.memory_space<hbm>> -> memref<32x1024xf32, #tpu.memory_space<hbm>>
      tpu.wait_dma2 semaphore(%run_scoped3A : memref<!tpu.dma_semaphore, #tpu.memory_space<semaphore_mem>>) src(%arg8 : memref<32x1024xf32, #tpu.memory_space<vmem>>) dst(%dma_wait3A_20 : memref<32x1024xf32, #tpu.memory_space<hbm>>)
      tpu.yield
    }) : () -> ()
    "tpu.region"() ({
      %run_scoped3A = tpu.sem_alloc : memref<!tpu.dma_semaphore, #tpu.memory_space<semaphore_mem>>
      %dma_start3A_13 = arith.constant 0 : i32
      %dma_start3A_14 = tpu.memref_slice %arg6[%mul3A_2, %dma_start3A_13] : memref<1024x1024xf32, #tpu.memory_space<hbm>> -> memref<32x1024xf32, #tpu.memory_space<hbm>>
      %dma_start3A_15 = arith.constant 0 : i32
      %dma_start3A_16 = tpu.memref_slice %arg6[%mul3A_2, %dma_start3A_15] : memref<1024x1024xf32, #tpu.memory_space<hbm>> -> memref<32x1024xf32, #tpu.memory_space<hbm>>
      tpu.enqueue_dma source(%arg9 : memref<32x1024xf32, #tpu.memory_space<vmem>>) target(%dma_start3A_16 : memref<32x1024xf32, #tpu.memory_space<hbm>>) target_semaphore(%run_scoped3A : memref<!tpu.dma_semaphore, #tpu.memory_space<semaphore_mem>>)
      %dma_wait3A_17 = arith.constant 0 : i32
      %dma_wait3A_18 = tpu.memref_slice %arg6[%mul3A_2, %dma_wait3A_17] : memref<1024x1024xf32, #tpu.memory_space<hbm>> -> memref<32x1024xf32, #tpu.memory_space<hbm>>
      %dma_wait3A_19 = arith.constant 0 : i32
      %dma_wait3A_20 = tpu.memref_slice %arg6[%mul3A_2, %dma_wait3A_19] : memref<1024x1024xf32, #tpu.memory_space<hbm>> -> memref<32x1024xf32, #tpu.memory_space<hbm>>
      tpu.wait_dma2 semaphore(%run_scoped3A : memref<!tpu.dma_semaphore, #tpu.memory_space<semaphore_mem>>) src(%arg9 : memref<32x1024xf32, #tpu.memory_space<vmem>>) dst(%dma_wait3A_20 : memref<32x1024xf32, #tpu.memory_space<hbm>>)
      tpu.yield
    }) : () -> ()
    return
  }
}

module attributes {stable_mosaic.version = 14 : i64} {
  func.func @_route_kernel(%arg0: memref<1024x1024xf32, #tpu.memory_space<vmem>>, %arg1: memref<1024x64xf32, #tpu.memory_space<vmem>>, %arg2: memref<1x64xf32, #tpu.memory_space<vmem>>, %arg3: memref<1024x1xi32, #tpu.memory_space<vmem>>, %arg4: memref<1024x1xi32, #tpu.memory_space<vmem>>, %arg5: memref<1024x1xf32, #tpu.memory_space<vmem>>, %arg6: memref<1024x1xf32, #tpu.memory_space<vmem>>, %arg7: memref<1x64xi32, #tpu.memory_space<vmem>>, %arg8: memref<1x64xi32, #tpu.memory_space<vmem>>, %arg9: memref<1x1xf32, #tpu.memory_space<vmem>>) attributes {dimension_semantics = [], scalar_prefetch = 0 : i64, scratch_operands = 0 : i64, tpu.core_type = #tpu.core_type<tc>} {
    %get3A = arith.constant 0 : index
    %get3A_0 = arith.constant 0 : index
    %get3A_1 = vector.load %arg0[%get3A, %get3A_0] : memref<1024x1024xf32, #tpu.memory_space<vmem>>, vector<1024x1024xf32>
    %get3A_2 = arith.constant 0 : index
    %get3A_3 = arith.constant 0 : index
    %get3A_4 = vector.load %arg1[%get3A_2, %get3A_3] : memref<1024x64xf32, #tpu.memory_space<vmem>>, vector<1024x64xf32>
    %dot_general3A = arith.constant dense<0.000000e+00> : vector<1024x64xf32>
    %dot_general3A_5 = tpu.matmul %get3A_1, %get3A_4, %dot_general3A {dimension_numbers = #tpu.dot_dimension_numbers<[1], [0], [0], [1], [0, 0, 1, 1], [], []>, transpose_lhs_hint = false} : vector<1024x1024xf32>, vector<1024x64xf32>, vector<1024x64xf32> -> vector<1024x64xf32>
    %get3A_6 = arith.constant 0 : index
    %get3A_7 = arith.constant 0 : index
    %get3A_8 = vector.load %arg2[%get3A_6, %get3A_7] : memref<1x64xf32, #tpu.memory_space<vmem>>, vector<1x64xf32>
    %add3A = vector.broadcast %get3A_8 : vector<1x64xf32> to vector<1024x64xf32>
    %add3A_9 = arith.addf %dot_general3A_5, %add3A : vector<1024x64xf32>
    %reduce_max3A = arith.constant dense<0xFF800000> : vector<1024xf32>
    %reduce_max3A_10 = vector.multi_reduction <maximumf>, %add3A_9, %reduce_max3A [1] : vector<1024x64xf32> to vector<1024xf32>
    %broadcast_in_dim3A = vector.shape_cast %reduce_max3A_10 : vector<1024xf32> to vector<1024x1xf32>
    %sub3A = vector.broadcast %broadcast_in_dim3A : vector<1024x1xf32> to vector<1024x64xf32>
    %sub3A_11 = arith.subf %add3A_9, %sub3A : vector<1024x64xf32>
    %exp3A = math.exp %sub3A_11 : vector<1024x64xf32>
    %reduce_sum3A = arith.constant dense<0.000000e+00> : vector<1024xf32>
    %reduce_sum3A_12 = vector.multi_reduction <add>, %exp3A, %reduce_sum3A [1] : vector<1024x64xf32> to vector<1024xf32>
    %broadcast_in_dim3A_13 = vector.shape_cast %reduce_sum3A_12 : vector<1024xf32> to vector<1024x1xf32>
    %div3A = vector.broadcast %broadcast_in_dim3A_13 : vector<1024x1xf32> to vector<1024x64xf32>
    %div3A_14 = arith.divf %exp3A, %div3A : vector<1024x64xf32>
    %iota3A = tpu.iota {dimensions = array<i32: 1>} : vector<1024x64xi32>
    %reduce_max3A_15 = arith.constant dense<0xFF800000> : vector<1024xf32>
    %reduce_max3A_16 = vector.multi_reduction <maximumf>, %div3A_14, %reduce_max3A_15 [1] : vector<1024x64xf32> to vector<1024xf32>
    %broadcast_in_dim3A_17 = vector.shape_cast %reduce_max3A_16 : vector<1024xf32> to vector<1024x1xf32>
    %eq3A = vector.broadcast %broadcast_in_dim3A_17 : vector<1024x1xf32> to vector<1024x64xf32>
    %eq3A_18 = arith.cmpf oeq, %div3A_14, %eq3A : vector<1024x64xf32>
    %jit3A = arith.constant 64 : i32
    %broadcast_in_dim3A_19 = vector.broadcast %jit3A : i32 to vector<1024x64xi32>
    %select_n3A = arith.select %eq3A_18, %iota3A, %broadcast_in_dim3A_19 : vector<1024x64xi1>, vector<1024x64xi32>
    %reduce_min3A = arith.constant dense<2147483647> : vector<1024xi32>
    %reduce_min3A_20 = vector.multi_reduction <minsi>, %select_n3A, %reduce_min3A [1] : vector<1024x64xi32> to vector<1024xi32>
    %broadcast_in_dim3A_21 = vector.shape_cast %reduce_min3A_20 : vector<1024xi32> to vector<1024x1xi32>
    %eq3A_22 = vector.broadcast %broadcast_in_dim3A_21 : vector<1024x1xi32> to vector<1024x64xi32>
    %eq3A_23 = arith.cmpi eq, %iota3A, %eq3A_22 : vector<1024x64xi32>
    %jit3A_24 = arith.constant -1.000000e+00 : f32
    %broadcast_in_dim3A_25 = vector.broadcast %jit3A_24 : f32 to vector<1024x64xf32>
    %select_n3A_26 = arith.select %eq3A_23, %broadcast_in_dim3A_25, %div3A_14 : vector<1024x64xi1>, vector<1024x64xf32>
    %reduce_max3A_27 = arith.constant dense<0xFF800000> : vector<1024xf32>
    %reduce_max3A_28 = vector.multi_reduction <maximumf>, %select_n3A_26, %reduce_max3A_27 [1] : vector<1024x64xf32> to vector<1024xf32>
    %broadcast_in_dim3A_29 = vector.shape_cast %reduce_max3A_28 : vector<1024xf32> to vector<1024x1xf32>
    %eq3A_30 = vector.broadcast %broadcast_in_dim3A_29 : vector<1024x1xf32> to vector<1024x64xf32>
    %eq3A_31 = arith.cmpf oeq, %select_n3A_26, %eq3A_30 : vector<1024x64xf32>
    %jit3A_32 = arith.constant 64 : i32
    %broadcast_in_dim3A_33 = vector.broadcast %jit3A_32 : i32 to vector<1024x64xi32>
    %select_n3A_34 = arith.select %eq3A_31, %iota3A, %broadcast_in_dim3A_33 : vector<1024x64xi1>, vector<1024x64xi32>
    %reduce_min3A_35 = arith.constant dense<2147483647> : vector<1024xi32>
    %reduce_min3A_36 = vector.multi_reduction <minsi>, %select_n3A_34, %reduce_min3A_35 [1] : vector<1024x64xi32> to vector<1024xi32>
    %broadcast_in_dim3A_37 = vector.shape_cast %reduce_min3A_36 : vector<1024xi32> to vector<1024x1xi32>
    %add3A_38 = arith.addf %broadcast_in_dim3A_17, %broadcast_in_dim3A_29 : vector<1024x1xf32>
    %div3A_39 = arith.divf %broadcast_in_dim3A_17, %add3A_38 : vector<1024x1xf32>
    %swap3A = arith.constant 0 : index
    %swap3A_40 = arith.constant 0 : index
    %swap3A_41 = vector.load %arg5[%swap3A, %swap3A_40] : memref<1024x1xf32, #tpu.memory_space<vmem>>, vector<1024x1xf32>
    tpu.vector_store %arg5[%swap3A, %swap3A_40], %div3A_39 {strides = array<i32>} : memref<1024x1xf32, #tpu.memory_space<vmem>>, vector<1024x1xf32>,
    %div3A_42 = arith.divf %broadcast_in_dim3A_29, %add3A_38 : vector<1024x1xf32>
    %swap3A_43 = arith.constant 0 : index
    %swap3A_44 = arith.constant 0 : index
    %swap3A_45 = vector.load %arg6[%swap3A_43, %swap3A_44] : memref<1024x1xf32, #tpu.memory_space<vmem>>, vector<1024x1xf32>
    tpu.vector_store %arg6[%swap3A_43, %swap3A_44], %div3A_42 {strides = array<i32>} : memref<1024x1xf32, #tpu.memory_space<vmem>>, vector<1024x1xf32>,
    %concatenate3A = tpu.concatenate %broadcast_in_dim3A_21, %broadcast_in_dim3A_37 in 0 : vector<1024x1xi32>, vector<1024x1xi32> -> vector<2048x1xi32>
    %iota3A_46 = tpu.iota {dimensions = array<i32: 1>} : vector<2048x64xi32>
    %eq3A_47 = vector.broadcast %concatenate3A : vector<2048x1xi32> to vector<2048x64xi32>
    %eq3A_48 = arith.cmpi eq, %iota3A_46, %eq3A_47 : vector<2048x64xi32>
    %convert_element_type3A = arith.extui %eq3A_48 : vector<2048x64xi1> to vector<2048x64xi32>
    %convert_element_type3A_49 = arith.sitofp %convert_element_type3A : vector<2048x64xi32> to vector<2048x64xf32>
    %reduce_sum3A_50 = arith.constant dense<0.000000e+00> : vector<64xf32>
    %reduce_sum3A_51 = vector.multi_reduction <add>, %convert_element_type3A_49, %reduce_sum3A_50 [0] : vector<2048x64xf32> to vector<64xf32>
    %broadcast_in_dim3A_52 = vector.shape_cast %reduce_sum3A_51 : vector<64xf32> to vector<1x64xf32>
    %convert_element_type3A_53 = arith.fptosi %broadcast_in_dim3A_52 : vector<1x64xf32> to vector<1x64xi32>
    %add3A_54 = arith.constant 7 : i32
    %add3A_55 = vector.broadcast %add3A_54 : i32 to vector<1x64xi32>
    %add3A_56 = arith.addi %convert_element_type3A_53, %add3A_55 : vector<1x64xi32>
    %jit3A_57 = arith.constant 8 : i32
    %div3A_58 = vector.broadcast %jit3A_57 : i32 to vector<1x64xi32>
    %div3A_59 = arith.divsi %add3A_56, %div3A_58 : vector<1x64xi32>
    %sign3A = arith.constant 0 : i32
    %sign3A_60 = vector.broadcast %sign3A : i32 to vector<1x64xi32>
    %sign3A_61 = arith.cmpi sgt, %add3A_56, %sign3A_60 : vector<1x64xi32>
    %sign3A_62 = arith.extui %sign3A_61 : vector<1x64xi1> to vector<1x64xi32>
    %sign3A_63 = arith.constant 0 : i32
    %sign3A_64 = vector.broadcast %sign3A_63 : i32 to vector<1x64xi32>
    %sign3A_65 = arith.cmpi slt, %add3A_56, %sign3A_64 : vector<1x64xi32>
    %sign3A_66 = arith.extui %sign3A_65 : vector<1x64xi1> to vector<1x64xi32>
    %sign3A_67 = arith.subi %sign3A_62, %sign3A_66 : vector<1x64xi32>
    %sign3A_68 = arith.constant 0 : i32
    %sign3A_69 = arith.cmpi sgt, %jit3A_57, %sign3A_68 : i32
    %sign3A_70 = arith.extui %sign3A_69 : i1 to i32
    %sign3A_71 = arith.constant 0 : i32
    %sign3A_72 = arith.cmpi slt, %jit3A_57, %sign3A_71 : i32
    %sign3A_73 = arith.extui %sign3A_72 : i1 to i32
    %sign3A_74 = arith.subi %sign3A_70, %sign3A_73 : i32
    %ne3A = vector.broadcast %sign3A_74 : i32 to vector<1x64xi32>
    %ne3A_75 = arith.cmpi ne, %sign3A_67, %ne3A : vector<1x64xi32>
    %rem3A = vector.broadcast %jit3A_57 : i32 to vector<1x64xi32>
    %rem3A_76 = arith.remsi %add3A_56, %rem3A : vector<1x64xi32>
    %ne3A_77 = arith.constant 0 : i32
    %ne3A_78 = vector.broadcast %ne3A_77 : i32 to vector<1x64xi32>
    %ne3A_79 = arith.cmpi ne, %rem3A_76, %ne3A_78 : vector<1x64xi32>
    %and3A = arith.andi %ne3A_75, %ne3A_79 : vector<1x64xi1>
    %sub3A_80 = arith.constant 1 : i32
    %sub3A_81 = vector.broadcast %sub3A_80 : i32 to vector<1x64xi32>
    %sub3A_82 = arith.subi %div3A_59, %sub3A_81 : vector<1x64xi32>
    %select_n3A_83 = arith.select %and3A, %sub3A_82, %div3A_59 : vector<1x64xi1>, vector<1x64xi32>
    %mul3A = arith.constant 8 : i32
    %mul3A_84 = vector.broadcast %mul3A : i32 to vector<1x64xi32>
    %mul3A_85 = arith.muli %select_n3A_83, %mul3A_84 : vector<1x64xi32>
    %iota3A_86 = tpu.iota {dimensions = array<i32: 0>} : vector<64x64xi32>
    %iota3A_87 = tpu.iota {dimensions = array<i32: 1>} : vector<64x64xi32>
    %lt3A = arith.cmpi slt, %iota3A_86, %iota3A_87 : vector<64x64xi32>
    %convert_element_type3A_88 = arith.extui %lt3A : vector<64x64xi1> to vector<64x64xi32>
    %convert_element_type3A_89 = arith.sitofp %convert_element_type3A_88 : vector<64x64xi32> to vector<64x64xf32>
    %convert_element_type3A_90 = arith.sitofp %mul3A_85 : vector<1x64xi32> to vector<1x64xf32>
    %dot_general3A_91 = arith.constant dense<0.000000e+00> : vector<1x64xf32>
    %dot_general3A_92 = tpu.matmul %convert_element_type3A_90, %convert_element_type3A_89, %dot_general3A_91 {dimension_numbers = #tpu.dot_dimension_numbers<[1], [0], [0], [1], [0, 0, 1, 1], [], []>, transpose_lhs_hint = false} : vector<1x64xf32>, vector<64x64xf32>, vector<1x64xf32> -> vector<1x64xf32>
    %slice3A = vector.extract_strided_slice %convert_element_type3A_49 {offsets = [0, 0], sizes = [1024, 64], strides = [1, 1]} : vector<2048x64xf32> to vector<1024x64xf32>
    %slice3A_93 = vector.extract_strided_slice %convert_element_type3A_49 {offsets = [1024, 0], sizes = [1024, 64], strides = [1, 1]} : vector<2048x64xf32> to vector<1024x64xf32>
    %iota3A_94 = tpu.iota {dimensions = array<i32: 0>} : vector<1024x1024xi32>
    %iota3A_95 = tpu.iota {dimensions = array<i32: 1>} : vector<1024x1024xi32>
    %gt3A = arith.cmpi sgt, %iota3A_94, %iota3A_95 : vector<1024x1024xi32>
    %convert_element_type3A_96 = arith.extui %gt3A : vector<1024x1024xi1> to vector<1024x1024xi32>
    %convert_element_type3A_97 = arith.sitofp %convert_element_type3A_96 : vector<1024x1024xi32> to vector<1024x1024xf32>
    %dot_general3A_98 = arith.constant dense<0.000000e+00> : vector<1024x64xf32>
    %dot_general3A_99 = tpu.matmul %convert_element_type3A_97, %slice3A, %dot_general3A_98 {dimension_numbers = #tpu.dot_dimension_numbers<[1], [0], [0], [1], [0, 0, 1, 1], [], []>, transpose_lhs_hint = false} : vector<1024x1024xf32>, vector<1024x64xf32>, vector<1024x64xf32> -> vector<1024x64xf32>
    %reduce_sum3A_100 = arith.constant dense<0.000000e+00> : vector<64xf32>
    %reduce_sum3A_101 = vector.multi_reduction <add>, %slice3A, %reduce_sum3A_100 [0] : vector<1024x64xf32> to vector<64xf32>
    %broadcast_in_dim3A_102 = vector.shape_cast %reduce_sum3A_101 : vector<64xf32> to vector<1x64xf32>
    %dot_general3A_103 = arith.constant dense<0.000000e+00> : vector<1024x64xf32>
    %dot_general3A_104 = tpu.matmul %convert_element_type3A_97, %slice3A_93, %dot_general3A_103 {dimension_numbers = #tpu.dot_dimension_numbers<[1], [0], [0], [1], [0, 0, 1, 1], [], []>, transpose_lhs_hint = false} : vector<1024x1024xf32>, vector<1024x64xf32>, vector<1024x64xf32> -> vector<1024x64xf32>
    %add3A_105 = vector.broadcast %broadcast_in_dim3A_102 : vector<1x64xf32> to vector<1024x64xf32>
    %add3A_106 = arith.addf %add3A_105, %dot_general3A_104 : vector<1024x64xf32>
    %concatenate3A_107 = tpu.concatenate %dot_general3A_99, %add3A_106 in 0 : vector<1024x64xf32>, vector<1024x64xf32> -> vector<2048x64xf32>
    %mul3A_108 = arith.mulf %concatenate3A_107, %convert_element_type3A_49 : vector<2048x64xf32>
    %reduce_sum3A_109 = arith.constant dense<0.000000e+00> : vector<2048xf32>
    %reduce_sum3A_110 = vector.multi_reduction <add>, %mul3A_108, %reduce_sum3A_109 [1] : vector<2048x64xf32> to vector<2048xf32>
    %broadcast_in_dim3A_111 = vector.shape_cast %reduce_sum3A_110 : vector<2048xf32> to vector<2048x1xf32>
    %transpose3A = tpu.transpose %dot_general3A_92, [1, 0] : vector<1x64xf32> -> vector<64x1xf32>
    %dot_general3A_112 = arith.constant dense<0.000000e+00> : vector<2048x1xf32>
    %dot_general3A_113 = tpu.matmul %convert_element_type3A_49, %transpose3A, %dot_general3A_112 {dimension_numbers = #tpu.dot_dimension_numbers<[1], [0], [0], [1], [0, 0, 1, 1], [], []>, transpose_lhs_hint = false} : vector<2048x64xf32>, vector<64x1xf32>, vector<2048x1xf32> -> vector<2048x1xf32>
    %add3A_114 = arith.addf %dot_general3A_113, %broadcast_in_dim3A_111 : vector<2048x1xf32>
    %convert_element_type3A_115 = arith.fptosi %add3A_114 : vector<2048x1xf32> to vector<2048x1xi32>
    %slice3A_116 = vector.extract_strided_slice %convert_element_type3A_115 {offsets = [0, 0], sizes = [1024, 1], strides = [1, 1]} : vector<2048x1xi32> to vector<1024x1xi32>
    %swap3A_117 = arith.constant 0 : index
    %swap3A_118 = arith.constant 0 : index
    %swap3A_119 = vector.load %arg3[%swap3A_117, %swap3A_118] : memref<1024x1xi32, #tpu.memory_space<vmem>>, vector<1024x1xi32>
    tpu.vector_store %arg3[%swap3A_117, %swap3A_118], %slice3A_116 {strides = array<i32>} : memref<1024x1xi32, #tpu.memory_space<vmem>>, vector<1024x1xi32>,
    %slice3A_120 = vector.extract_strided_slice %convert_element_type3A_115 {offsets = [1024, 0], sizes = [1024, 1], strides = [1, 1]} : vector<2048x1xi32> to vector<1024x1xi32>
    %swap3A_121 = arith.constant 0 : index
    %swap3A_122 = arith.constant 0 : index
    %swap3A_123 = vector.load %arg4[%swap3A_121, %swap3A_122] : memref<1024x1xi32, #tpu.memory_space<vmem>>, vector<1024x1xi32>
    tpu.vector_store %arg4[%swap3A_121, %swap3A_122], %slice3A_120 {strides = array<i32>} : memref<1024x1xi32, #tpu.memory_space<vmem>>, vector<1024x1xi32>,
    %convert_element_type3A_124 = arith.fptosi %dot_general3A_92 : vector<1x64xf32> to vector<1x64xi32>
    %swap3A_125 = arith.constant 0 : index
    %swap3A_126 = arith.constant 0 : index
    %swap3A_127 = vector.load %arg7[%swap3A_125, %swap3A_126] : memref<1x64xi32, #tpu.memory_space<vmem>>, vector<1x64xi32>
    tpu.vector_store %arg7[%swap3A_125, %swap3A_126], %convert_element_type3A_124 {strides = array<i32>} : memref<1x64xi32, #tpu.memory_space<vmem>>, vector<1x64xi32>,
    %swap3A_128 = arith.constant 0 : index
    %swap3A_129 = arith.constant 0 : index
    %swap3A_130 = vector.load %arg8[%swap3A_128, %swap3A_129] : memref<1x64xi32, #tpu.memory_space<vmem>>, vector<1x64xi32>
    tpu.vector_store %arg8[%swap3A_128, %swap3A_129], %convert_element_type3A_53 {strides = array<i32>} : memref<1x64xi32, #tpu.memory_space<vmem>>, vector<1x64xi32>,
    %reduce_sum3A_131 = arith.constant dense<0.000000e+00> : vector<64xf32>
    %reduce_sum3A_132 = vector.multi_reduction <add>, %div3A_14, %reduce_sum3A_131 [0] : vector<1024x64xf32> to vector<64xf32>
    %broadcast_in_dim3A_133 = vector.shape_cast %reduce_sum3A_132 : vector<64xf32> to vector<1x64xf32>
    %reduce_sum3A_134 = vector.shape_cast %broadcast_in_dim3A_133 : vector<1x64xf32> to vector<1x1x64xf32>
    %reduce_sum3A_135 = arith.constant dense<0.000000e+00> : vector<1xf32>
    %reduce_sum3A_136 = vector.multi_reduction <add>, %reduce_sum3A_134, %reduce_sum3A_135 [1, 2] : vector<1x1x64xf32> to vector<1xf32>
    %reduce_sum3A_137 = vector.shape_cast %reduce_sum3A_136 : vector<1xf32> to vector<1x1x1xf32>
    %reduce_sum3A_138 = vector.extract %reduce_sum3A_137[0, 0, 0] : f32 from vector<1x1x1xf32>
    %div3A_139 = arith.constant 6.400000e+01 : f32
    %div3A_140 = arith.divf %reduce_sum3A_138, %div3A_139 : f32
    %sub3A_141 = vector.broadcast %div3A_140 : f32 to vector<1x64xf32>
    %sub3A_142 = arith.subf %broadcast_in_dim3A_133, %sub3A_141 : vector<1x64xf32>
    %integer_pow3A = arith.mulf %sub3A_142, %sub3A_142 : vector<1x64xf32>
    %reduce_sum3A_143 = vector.shape_cast %integer_pow3A : vector<1x64xf32> to vector<1x1x64xf32>
    %reduce_sum3A_144 = arith.constant dense<0.000000e+00> : vector<1xf32>
    %reduce_sum3A_145 = vector.multi_reduction <add>, %reduce_sum3A_143, %reduce_sum3A_144 [1, 2] : vector<1x1x64xf32> to vector<1xf32>
    %reduce_sum3A_146 = vector.shape_cast %reduce_sum3A_145 : vector<1xf32> to vector<1x1x1xf32>
    %reduce_sum3A_147 = vector.extract %reduce_sum3A_146[0, 0, 0] : f32 from vector<1x1x1xf32>
    %div3A_148 = arith.constant 6.300000e+01 : f32
    %div3A_149 = arith.divf %reduce_sum3A_147, %div3A_148 : f32
    %add3A_150 = arith.constant 9.99999997E-7 : f32
    %add3A_151 = arith.addf %div3A_140, %add3A_150 : f32
    %integer_pow3A_152 = arith.mulf %add3A_151, %add3A_151 : f32
    %div3A_153 = arith.divf %div3A_149, %integer_pow3A_152 : f32
    %div3A_154 = arith.constant 1.024000e+03 : f32
    %div3A_155 = vector.broadcast %div3A_154 : f32 to vector<1x64xf32>
    %div3A_156 = arith.divf %broadcast_in_dim3A_52, %div3A_155 : vector<1x64xf32>
    %reduce_sum3A_157 = vector.shape_cast %div3A_156 : vector<1x64xf32> to vector<1x1x64xf32>
    %reduce_sum3A_158 = arith.constant dense<0.000000e+00> : vector<1xf32>
    %reduce_sum3A_159 = vector.multi_reduction <add>, %reduce_sum3A_157, %reduce_sum3A_158 [1, 2] : vector<1x1x64xf32> to vector<1xf32>
    %reduce_sum3A_160 = vector.shape_cast %reduce_sum3A_159 : vector<1xf32> to vector<1x1x1xf32>
    %reduce_sum3A_161 = vector.extract %reduce_sum3A_160[0, 0, 0] : f32 from vector<1x1x1xf32>
    %div3A_162 = arith.constant 6.400000e+01 : f32
    %div3A_163 = arith.divf %reduce_sum3A_161, %div3A_162 : f32
    %sub3A_164 = vector.broadcast %div3A_163 : f32 to vector<1x64xf32>
    %sub3A_165 = arith.subf %div3A_156, %sub3A_164 : vector<1x64xf32>
    %integer_pow3A_166 = arith.mulf %sub3A_165, %sub3A_165 : vector<1x64xf32>
    %reduce_sum3A_167 = vector.shape_cast %integer_pow3A_166 : vector<1x64xf32> to vector<1x1x64xf32>
    %reduce_sum3A_168 = arith.constant dense<0.000000e+00> : vector<1xf32>
    %reduce_sum3A_169 = vector.multi_reduction <add>, %reduce_sum3A_167, %reduce_sum3A_168 [1, 2] : vector<1x1x64xf32> to vector<1xf32>
    %reduce_sum3A_170 = vector.shape_cast %reduce_sum3A_169 : vector<1xf32> to vector<1x1x1xf32>
    %reduce_sum3A_171 = vector.extract %reduce_sum3A_170[0, 0, 0] : f32 from vector<1x1x1xf32>
    %div3A_172 = arith.constant 6.300000e+01 : f32
    %div3A_173 = arith.divf %reduce_sum3A_171, %div3A_172 : f32
    %add3A_174 = arith.constant 9.99999997E-7 : f32
    %add3A_175 = arith.addf %div3A_163, %add3A_174 : f32
    %integer_pow3A_176 = arith.mulf %add3A_175, %add3A_175 : f32
    %div3A_177 = arith.divf %div3A_173, %integer_pow3A_176 : f32
    %add3A_178 = arith.addf %div3A_153, %div3A_177 : f32
    %broadcast_in_dim3A_179 = vector.broadcast %add3A_178 : f32 to vector<1x1xf32>
    %swap3A_180 = arith.constant 0 : index
    %swap3A_181 = arith.constant 0 : index
    %swap3A_182 = vector.load %arg9[%swap3A_180, %swap3A_181] : memref<1x1xf32, #tpu.memory_space<vmem>>, vector<1x1xf32>
    tpu.vector_store %arg9[%swap3A_180, %swap3A_181], %broadcast_in_dim3A_179 {strides = array<i32>} : memref<1x1xf32, #tpu.memory_space<vmem>>, vector<1x1xf32>,
    return
  }
}

module attributes {stable_mosaic.version = 14 : i64} {
  func.func @_finalize_kernel(%arg0: memref<1024x1xf32, #tpu.memory_space<vmem>>, %arg1: memref<1024x1xf32, #tpu.memory_space<vmem>>, %arg2: memref<1024x1024xf32, #tpu.memory_space<vmem>>, %arg3: memref<1024x1024xf32, #tpu.memory_space<vmem>>, %arg4: memref<1x1024xf32, #tpu.memory_space<vmem>>, %arg5: memref<1x1024xf32, #tpu.memory_space<vmem>>, %arg6: memref<1024x1024xf32, #tpu.memory_space<vmem>>) attributes {dimension_semantics = [], scalar_prefetch = 0 : i64, scratch_operands = 0 : i64, tpu.core_type = #tpu.core_type<tc>} {
    %get3A = arith.constant 0 : index
    %get3A_0 = arith.constant 0 : index
    %get3A_1 = vector.load %arg0[%get3A, %get3A_0] : memref<1024x1xf32, #tpu.memory_space<vmem>>, vector<1024x1xf32>
    %get3A_2 = arith.constant 0 : index
    %get3A_3 = arith.constant 0 : index
    %get3A_4 = vector.load %arg2[%get3A_2, %get3A_3] : memref<1024x1024xf32, #tpu.memory_space<vmem>>, vector<1024x1024xf32>
    %mul3A = vector.broadcast %get3A_1 : vector<1024x1xf32> to vector<1024x1024xf32>
    %mul3A_5 = arith.mulf %mul3A, %get3A_4 : vector<1024x1024xf32>
    %get3A_6 = arith.constant 0 : index
    %get3A_7 = arith.constant 0 : index
    %get3A_8 = vector.load %arg1[%get3A_6, %get3A_7] : memref<1024x1xf32, #tpu.memory_space<vmem>>, vector<1024x1xf32>
    %get3A_9 = arith.constant 0 : index
    %get3A_10 = arith.constant 0 : index
    %get3A_11 = vector.load %arg3[%get3A_9, %get3A_10] : memref<1024x1024xf32, #tpu.memory_space<vmem>>, vector<1024x1024xf32>
    %mul3A_12 = vector.broadcast %get3A_8 : vector<1024x1xf32> to vector<1024x1024xf32>
    %mul3A_13 = arith.mulf %mul3A_12, %get3A_11 : vector<1024x1024xf32>
    %add3A = arith.addf %mul3A_5, %mul3A_13 : vector<1024x1024xf32>
    %reduce_sum3A = arith.constant dense<0.000000e+00> : vector<1024xf32>
    %reduce_sum3A_14 = vector.multi_reduction <add>, %add3A, %reduce_sum3A [1] : vector<1024x1024xf32> to vector<1024xf32>
    %broadcast_in_dim3A = vector.shape_cast %reduce_sum3A_14 : vector<1024xf32> to vector<1024x1xf32>
    %div3A = arith.constant 1.024000e+03 : f32
    %div3A_15 = vector.broadcast %div3A : f32 to vector<1024x1xf32>
    %div3A_16 = arith.divf %broadcast_in_dim3A, %div3A_15 : vector<1024x1xf32>
    %sub3A = vector.broadcast %div3A_16 : vector<1024x1xf32> to vector<1024x1024xf32>
    %sub3A_17 = arith.subf %add3A, %sub3A : vector<1024x1024xf32>
    %integer_pow3A = arith.mulf %sub3A_17, %sub3A_17 : vector<1024x1024xf32>
    %reduce_sum3A_18 = arith.constant dense<0.000000e+00> : vector<1024xf32>
    %reduce_sum3A_19 = vector.multi_reduction <add>, %integer_pow3A, %reduce_sum3A_18 [1] : vector<1024x1024xf32> to vector<1024xf32>
    %broadcast_in_dim3A_20 = vector.shape_cast %reduce_sum3A_19 : vector<1024xf32> to vector<1024x1xf32>
    %div3A_21 = arith.constant 1.024000e+03 : f32
    %div3A_22 = vector.broadcast %div3A_21 : f32 to vector<1024x1xf32>
    %div3A_23 = arith.divf %broadcast_in_dim3A_20, %div3A_22 : vector<1024x1xf32>
    %sub3A_24 = vector.broadcast %div3A_16 : vector<1024x1xf32> to vector<1024x1024xf32>
    %sub3A_25 = arith.subf %add3A, %sub3A_24 : vector<1024x1024xf32>
    %add3A_26 = arith.constant 9.99999974E-6 : f32
    %add3A_27 = vector.broadcast %add3A_26 : f32 to vector<1024x1xf32>
    %add3A_28 = arith.addf %div3A_23, %add3A_27 : vector<1024x1xf32>
    %rsqrt3A = math.rsqrt %add3A_28 : vector<1024x1xf32>
    %mul3A_29 = vector.broadcast %rsqrt3A : vector<1024x1xf32> to vector<1024x1024xf32>
    %mul3A_30 = arith.mulf %sub3A_25, %mul3A_29 : vector<1024x1024xf32>
    %get3A_31 = arith.constant 0 : index
    %get3A_32 = arith.constant 0 : index
    %get3A_33 = vector.load %arg4[%get3A_31, %get3A_32] : memref<1x1024xf32, #tpu.memory_space<vmem>>, vector<1x1024xf32>
    %mul3A_34 = vector.broadcast %get3A_33 : vector<1x1024xf32> to vector<1024x1024xf32>
    %mul3A_35 = arith.mulf %mul3A_30, %mul3A_34 : vector<1024x1024xf32>
    %get3A_36 = arith.constant 0 : index
    %get3A_37 = arith.constant 0 : index
    %get3A_38 = vector.load %arg5[%get3A_36, %get3A_37] : memref<1x1024xf32, #tpu.memory_space<vmem>>, vector<1x1024xf32>
    %add3A_39 = vector.broadcast %get3A_38 : vector<1x1024xf32> to vector<1024x1024xf32>
    %add3A_40 = arith.addf %mul3A_35, %add3A_39 : vector<1024x1024xf32>
    %swap3A = arith.constant 0 : index
    %swap3A_41 = arith.constant 0 : index
    %swap3A_42 = vector.load %arg6[%swap3A, %swap3A_41] : memref<1024x1024xf32, #tpu.memory_space<vmem>>, vector<1024x1024xf32>
    tpu.vector_store %arg6[%swap3A, %swap3A_41], %add3A_40 {strides = array<i32>} : memref<1024x1024xf32, #tpu.memory_space<vmem>>, vector<1024x1024xf32>,
    return
  }
}

module attributes {stable_mosaic.version = 14 : i64} {
  func.func @_ffn_kernel(%arg0: i32, %arg1: i32, %arg2: memref<64xi32, #tpu.memory_space<smem>>, %arg3: memref<64xi32, #tpu.memory_space<smem>>, %arg4: memref<2688x1024xf32, #tpu.memory_space<vmem>>, %arg5: memref<1x1x256x512xf32, #tpu.memory_space<vmem>>, %arg6: memref<1x1x256x512xf32, #tpu.memory_space<vmem>>, %arg7: memref<1x1x256x512xf32, #tpu.memory_space<vmem>>, %arg8: memref<1x1x256x512xf32, #tpu.memory_space<vmem>>, %arg9: memref<1x1x512xf32, #tpu.memory_space<vmem>>, %arg10: memref<1x1x512xf32, #tpu.memory_space<vmem>>, %arg11: memref<1x1x512xf32, #tpu.memory_space<vmem>>, %arg12: memref<1x1x128x1024xf32, #tpu.memory_space<vmem>>, %arg13: memref<1x1x128x1024xf32, #tpu.memory_space<vmem>>, %arg14: memref<1x1x128x1024xf32, #tpu.memory_space<vmem>>, %arg15: memref<1x1x128x1024xf32, #tpu.memory_space<vmem>>, %arg16: memref<1x1x1024xf32, #tpu.memory_space<vmem>>, %arg17: memref<2688x1024xf32, #tpu.memory_space<vmem>>) attributes {dimension_semantics = [#tpu.dimension_semantics<arbitrary>, #tpu.dimension_semantics<arbitrary>], iteration_bounds = array<i64: 64, 8>, scalar_prefetch = 2 : i64, scratch_operands = 0 : i64, tpu.core_type = #tpu.core_type<tc>, window_params = [{pipeline_mode = #tpu.pipeline_mode<synchronous>, transform_indices = @transform_0, window_bounds = array<i64: 2688, 1024>}, {transform_indices = @transform_1, window_bounds = array<i64: 1, 1, 256, 512>}, {transform_indices = @transform_2, window_bounds = array<i64: 1, 1, 256, 512>}, {transform_indices = @transform_3, window_bounds = array<i64: 1, 1, 256, 512>}, {transform_indices = @transform_4, window_bounds = array<i64: 1, 1, 256, 512>}, {transform_indices = @transform_5, window_bounds = array<i64: 1, 1, 512>}, {transform_indices = @transform_6, window_bounds = array<i64: 1, 1, 512>}, {transform_indices = @transform_7, window_bounds = array<i64: 1, 1, 512>}, {transform_indices = @transform_8, window_bounds = array<i64: 1, 1, 128, 1024>}, {transform_indices = @transform_9, window_bounds = array<i64: 1, 1, 128, 1024>}, {transform_indices = @transform_10, window_bounds = array<i64: 1, 1, 128, 1024>}, {transform_indices = @transform_11, window_bounds = array<i64: 1, 1, 128, 1024>}, {transform_indices = @transform_12, window_bounds = array<i64: 1, 1, 1024>}, {pipeline_mode = #tpu.pipeline_mode<synchronous>, transform_indices = @transform_13, window_bounds = array<i64: 2688, 1024>}]} {
    %get3A = arith.index_cast %arg0 : i32 to index
    %get3A_0 = memref.load %arg2[%get3A] : memref<64xi32, #tpu.memory_space<smem>>
    %multiple_of3A = tpu.assume_multiple %get3A_0, 8 : i32
    %get3A_1 = arith.index_cast %arg0 : i32 to index
    %get3A_2 = memref.load %arg3[%get3A_1] : memref<64xi32, #tpu.memory_space<smem>>
    %mul3A = arith.constant 128 : i32
    %mul3A_3 = arith.muli %arg1, %mul3A : i32
    %lt3A = arith.cmpi slt, %mul3A_3, %get3A_2 : i32
    %convert_element_type3A = arith.extui %lt3A : i1 to i32
    %cond3A = arith.constant 0 : i32
    %cond3A_4 = arith.cmpi ne, %convert_element_type3A, %cond3A : i32
    scf.if %cond3A_4 {
      %mul3A_5 = arith.constant 128 : i32
      %mul3A_6 = arith.muli %arg1, %mul3A_5 : i32
      %add3A = arith.addi %multiple_of3A, %mul3A_6 : i32
      %get3A_7 = arith.index_cast %add3A : i32 to index
      %get3A_8 = arith.constant 0 : index
      %get3A_9 = vector.load %arg4[%get3A_7, %get3A_8] : memref<2688x1024xf32, #tpu.memory_space<vmem>>, vector<128x1024xf32>
      %slice3A = vector.extract_strided_slice %get3A_9 {offsets = [0, 0], sizes = [128, 256], strides = [1, 1]} : vector<128x1024xf32> to vector<128x256xf32>
      %get3A_10 = arith.constant 0 : index
      %get3A_11 = arith.constant 0 : index
      %get3A_12 = arith.constant 0 : index
      %get3A_13 = arith.constant 0 : index
      %get3A_14 = vector.load %arg5[%get3A_10, %get3A_11, %get3A_12, %get3A_13] : memref<1x1x256x512xf32, #tpu.memory_space<vmem>>, vector<1x1x256x512xf32>
      %get3A_15 = vector.shape_cast %get3A_14 : vector<1x1x256x512xf32> to vector<256x512xf32>
      %dot_general3A = arith.constant dense<0.000000e+00> : vector<128x512xf32>
      %dot_general3A_16 = tpu.matmul %slice3A, %get3A_15, %dot_general3A {dimension_numbers = #tpu.dot_dimension_numbers<[1], [0], [0], [1], [0, 0, 1, 1], [], []>, transpose_lhs_hint = false} : vector<128x256xf32>, vector<256x512xf32>, vector<128x512xf32> -> vector<128x512xf32>
      %slice3A_17 = vector.extract_strided_slice %get3A_9 {offsets = [0, 256], sizes = [128, 256], strides = [1, 1]} : vector<128x1024xf32> to vector<128x256xf32>
      %get3A_18 = arith.constant 0 : index
      %get3A_19 = arith.constant 0 : index
      %get3A_20 = arith.constant 0 : index
      %get3A_21 = arith.constant 0 : index
      %get3A_22 = vector.load %arg6[%get3A_18, %get3A_19, %get3A_20, %get3A_21] : memref<1x1x256x512xf32, #tpu.memory_space<vmem>>, vector<1x1x256x512xf32>
      %get3A_23 = vector.shape_cast %get3A_22 : vector<1x1x256x512xf32> to vector<256x512xf32>
      %dot_general3A_24 = arith.constant dense<0.000000e+00> : vector<128x512xf32>
      %dot_general3A_25 = tpu.matmul %slice3A_17, %get3A_23, %dot_general3A_24 {dimension_numbers = #tpu.dot_dimension_numbers<[1], [0], [0], [1], [0, 0, 1, 1], [], []>, transpose_lhs_hint = false} : vector<128x256xf32>, vector<256x512xf32>, vector<128x512xf32> -> vector<128x512xf32>
      %add3A_26 = arith.addf %dot_general3A_16, %dot_general3A_25 : vector<128x512xf32>
      %slice3A_27 = vector.extract_strided_slice %get3A_9 {offsets = [0, 512], sizes = [128, 256], strides = [1, 1]} : vector<128x1024xf32> to vector<128x256xf32>
      %get3A_28 = arith.constant 0 : index
      %get3A_29 = arith.constant 0 : index
      %get3A_30 = arith.constant 0 : index
      %get3A_31 = arith.constant 0 : index
      %get3A_32 = vector.load %arg7[%get3A_28, %get3A_29, %get3A_30, %get3A_31] : memref<1x1x256x512xf32, #tpu.memory_space<vmem>>, vector<1x1x256x512xf32>
      %get3A_33 = vector.shape_cast %get3A_32 : vector<1x1x256x512xf32> to vector<256x512xf32>
      %dot_general3A_34 = arith.constant dense<0.000000e+00> : vector<128x512xf32>
      %dot_general3A_35 = tpu.matmul %slice3A_27, %get3A_33, %dot_general3A_34 {dimension_numbers = #tpu.dot_dimension_numbers<[1], [0], [0], [1], [0, 0, 1, 1], [], []>, transpose_lhs_hint = false} : vector<128x256xf32>, vector<256x512xf32>, vector<128x512xf32> -> vector<128x512xf32>
      %add3A_36 = arith.addf %add3A_26, %dot_general3A_35 : vector<128x512xf32>
      %slice3A_37 = vector.extract_strided_slice %get3A_9 {offsets = [0, 768], sizes = [128, 256], strides = [1, 1]} : vector<128x1024xf32> to vector<128x256xf32>
      %get3A_38 = arith.constant 0 : index
      %get3A_39 = arith.constant 0 : index
      %get3A_40 = arith.constant 0 : index
      %get3A_41 = arith.constant 0 : index
      %get3A_42 = vector.load %arg8[%get3A_38, %get3A_39, %get3A_40, %get3A_41] : memref<1x1x256x512xf32, #tpu.memory_space<vmem>>, vector<1x1x256x512xf32>
      %get3A_43 = vector.shape_cast %get3A_42 : vector<1x1x256x512xf32> to vector<256x512xf32>
      %dot_general3A_44 = arith.constant dense<0.000000e+00> : vector<128x512xf32>
      %dot_general3A_45 = tpu.matmul %slice3A_37, %get3A_43, %dot_general3A_44 {dimension_numbers = #tpu.dot_dimension_numbers<[1], [0], [0], [1], [0, 0, 1, 1], [], []>, transpose_lhs_hint = false} : vector<128x256xf32>, vector<256x512xf32>, vector<128x512xf32> -> vector<128x512xf32>
      %add3A_46 = arith.addf %add3A_36, %dot_general3A_45 : vector<128x512xf32>
      %get3A_47 = arith.constant 0 : index
      %get3A_48 = arith.constant 0 : index
      %get3A_49 = arith.constant 0 : index
      %get3A_50 = vector.load %arg9[%get3A_47, %get3A_48, %get3A_49] : memref<1x1x512xf32, #tpu.memory_space<vmem>>, vector<1x1x512xf32>
      %get3A_51 = vector.shape_cast %get3A_50 : vector<1x1x512xf32> to vector<1x512xf32>
      %add3A_52 = vector.broadcast %get3A_51 : vector<1x512xf32> to vector<128x512xf32>
      %add3A_53 = arith.addf %add3A_46, %add3A_52 : vector<128x512xf32>
      %reduce_sum3A = arith.constant dense<0.000000e+00> : vector<128xf32>
      %reduce_sum3A_54 = vector.multi_reduction <add>, %add3A_53, %reduce_sum3A [1] : vector<128x512xf32> to vector<128xf32>
      %broadcast_in_dim3A = vector.shape_cast %reduce_sum3A_54 : vector<128xf32> to vector<128x1xf32>
      %div3A = arith.constant 5.120000e+02 : f32
      %div3A_55 = vector.broadcast %div3A : f32 to vector<128x1xf32>
      %div3A_56 = arith.divf %broadcast_in_dim3A, %div3A_55 : vector<128x1xf32>
      %sub3A = vector.broadcast %div3A_56 : vector<128x1xf32> to vector<128x512xf32>
      %sub3A_57 = arith.subf %add3A_53, %sub3A : vector<128x512xf32>
      %integer_pow3A = arith.mulf %sub3A_57, %sub3A_57 : vector<128x512xf32>
      %reduce_sum3A_58 = arith.constant dense<0.000000e+00> : vector<128xf32>
      %reduce_sum3A_59 = vector.multi_reduction <add>, %integer_pow3A, %reduce_sum3A_58 [1] : vector<128x512xf32> to vector<128xf32>
      %broadcast_in_dim3A_60 = vector.shape_cast %reduce_sum3A_59 : vector<128xf32> to vector<128x1xf32>
      %div3A_61 = arith.constant 5.120000e+02 : f32
      %div3A_62 = vector.broadcast %div3A_61 : f32 to vector<128x1xf32>
      %div3A_63 = arith.divf %broadcast_in_dim3A_60, %div3A_62 : vector<128x1xf32>
      %sub3A_64 = vector.broadcast %div3A_56 : vector<128x1xf32> to vector<128x512xf32>
      %sub3A_65 = arith.subf %add3A_53, %sub3A_64 : vector<128x512xf32>
      %add3A_66 = arith.constant 9.99999974E-6 : f32
      %add3A_67 = vector.broadcast %add3A_66 : f32 to vector<128x1xf32>
      %add3A_68 = arith.addf %div3A_63, %add3A_67 : vector<128x1xf32>
      %rsqrt3A = math.rsqrt %add3A_68 : vector<128x1xf32>
      %mul3A_69 = vector.broadcast %rsqrt3A : vector<128x1xf32> to vector<128x512xf32>
      %mul3A_70 = arith.mulf %sub3A_65, %mul3A_69 : vector<128x512xf32>
      %get3A_71 = arith.constant 0 : index
      %get3A_72 = arith.constant 0 : index
      %get3A_73 = arith.constant 0 : index
      %get3A_74 = vector.load %arg10[%get3A_71, %get3A_72, %get3A_73] : memref<1x1x512xf32, #tpu.memory_space<vmem>>, vector<1x1x512xf32>
      %get3A_75 = vector.shape_cast %get3A_74 : vector<1x1x512xf32> to vector<1x512xf32>
      %mul3A_76 = vector.broadcast %get3A_75 : vector<1x512xf32> to vector<128x512xf32>
      %mul3A_77 = arith.mulf %mul3A_70, %mul3A_76 : vector<128x512xf32>
      %get3A_78 = arith.constant 0 : index
      %get3A_79 = arith.constant 0 : index
      %get3A_80 = arith.constant 0 : index
      %get3A_81 = vector.load %arg11[%get3A_78, %get3A_79, %get3A_80] : memref<1x1x512xf32, #tpu.memory_space<vmem>>, vector<1x1x512xf32>
      %get3A_82 = vector.shape_cast %get3A_81 : vector<1x1x512xf32> to vector<1x512xf32>
      %add3A_83 = vector.broadcast %get3A_82 : vector<1x512xf32> to vector<128x512xf32>
      %add3A_84 = arith.addf %mul3A_77, %add3A_83 : vector<128x512xf32>
      %mul3A_85 = arith.constant 5.000000e-01 : f32
      %mul3A_86 = vector.broadcast %mul3A_85 : f32 to vector<128x512xf32>
      %mul3A_87 = arith.mulf %mul3A_86, %add3A_84 : vector<128x512xf32>
      %mul3A_88 = arith.constant 0.707106769 : f32
      %mul3A_89 = vector.broadcast %mul3A_88 : f32 to vector<128x512xf32>
      %mul3A_90 = arith.mulf %add3A_84, %mul3A_89 : vector<128x512xf32>
      %erf3A = math.erf %mul3A_90 : vector<128x512xf32>
      %add3A_91 = arith.constant 1.000000e+00 : f32
      %add3A_92 = vector.broadcast %add3A_91 : f32 to vector<128x512xf32>
      %add3A_93 = arith.addf %add3A_92, %erf3A : vector<128x512xf32>
      %mul3A_94 = arith.mulf %mul3A_87, %add3A_93 : vector<128x512xf32>
      %slice3A_95 = vector.extract_strided_slice %mul3A_94 {offsets = [0, 0], sizes = [128, 128], strides = [1, 1]} : vector<128x512xf32> to vector<128x128xf32>
      %get3A_96 = arith.constant 0 : index
      %get3A_97 = arith.constant 0 : index
      %get3A_98 = arith.constant 0 : index
      %get3A_99 = arith.constant 0 : index
      %get3A_100 = vector.load %arg12[%get3A_96, %get3A_97, %get3A_98, %get3A_99] : memref<1x1x128x1024xf32, #tpu.memory_space<vmem>>, vector<1x1x128x1024xf32>
      %get3A_101 = vector.shape_cast %get3A_100 : vector<1x1x128x1024xf32> to vector<128x1024xf32>
      %dot_general3A_102 = arith.constant dense<0.000000e+00> : vector<128x1024xf32>
      %dot_general3A_103 = tpu.matmul %slice3A_95, %get3A_101, %dot_general3A_102 {dimension_numbers = #tpu.dot_dimension_numbers<[1], [0], [0], [1], [0, 0, 1, 1], [], []>, transpose_lhs_hint = false} : vector<128x128xf32>, vector<128x1024xf32>, vector<128x1024xf32> -> vector<128x1024xf32>
      %slice3A_104 = vector.extract_strided_slice %mul3A_94 {offsets = [0, 128], sizes = [128, 128], strides = [1, 1]} : vector<128x512xf32> to vector<128x128xf32>
      %get3A_105 = arith.constant 0 : index
      %get3A_106 = arith.constant 0 : index
      %get3A_107 = arith.constant 0 : index
      %get3A_108 = arith.constant 0 : index
      %get3A_109 = vector.load %arg13[%get3A_105, %get3A_106, %get3A_107, %get3A_108] : memref<1x1x128x1024xf32, #tpu.memory_space<vmem>>, vector<1x1x128x1024xf32>
      %get3A_110 = vector.shape_cast %get3A_109 : vector<1x1x128x1024xf32> to vector<128x1024xf32>
      %dot_general3A_111 = arith.constant dense<0.000000e+00> : vector<128x1024xf32>
      %dot_general3A_112 = tpu.matmul %slice3A_104, %get3A_110, %dot_general3A_111 {dimension_numbers = #tpu.dot_dimension_numbers<[1], [0], [0], [1], [0, 0, 1, 1], [], []>, transpose_lhs_hint = false} : vector<128x128xf32>, vector<128x1024xf32>, vector<128x1024xf32> -> vector<128x1024xf32>
      %add3A_113 = arith.addf %dot_general3A_103, %dot_general3A_112 : vector<128x1024xf32>
      %slice3A_114 = vector.extract_strided_slice %mul3A_94 {offsets = [0, 256], sizes = [128, 128], strides = [1, 1]} : vector<128x512xf32> to vector<128x128xf32>
      %get3A_115 = arith.constant 0 : index
      %get3A_116 = arith.constant 0 : index
      %get3A_117 = arith.constant 0 : index
      %get3A_118 = arith.constant 0 : index
      %get3A_119 = vector.load %arg14[%get3A_115, %get3A_116, %get3A_117, %get3A_118] : memref<1x1x128x1024xf32, #tpu.memory_space<vmem>>, vector<1x1x128x1024xf32>
      %get3A_120 = vector.shape_cast %get3A_119 : vector<1x1x128x1024xf32> to vector<128x1024xf32>
      %dot_general3A_121 = arith.constant dense<0.000000e+00> : vector<128x1024xf32>
      %dot_general3A_122 = tpu.matmul %slice3A_114, %get3A_120, %dot_general3A_121 {dimension_numbers = #tpu.dot_dimension_numbers<[1], [0], [0], [1], [0, 0, 1, 1], [], []>, transpose_lhs_hint = false} : vector<128x128xf32>, vector<128x1024xf32>, vector<128x1024xf32> -> vector<128x1024xf32>
      %add3A_123 = arith.addf %add3A_113, %dot_general3A_122 : vector<128x1024xf32>
      %slice3A_124 = vector.extract_strided_slice %mul3A_94 {offsets = [0, 384], sizes = [128, 128], strides = [1, 1]} : vector<128x512xf32> to vector<128x128xf32>
      %get3A_125 = arith.constant 0 : index
      %get3A_126 = arith.constant 0 : index
      %get3A_127 = arith.constant 0 : index
      %get3A_128 = arith.constant 0 : index
      %get3A_129 = vector.load %arg15[%get3A_125, %get3A_126, %get3A_127, %get3A_128] : memref<1x1x128x1024xf32, #tpu.memory_space<vmem>>, vector<1x1x128x1024xf32>
      %get3A_130 = vector.shape_cast %get3A_129 : vector<1x1x128x1024xf32> to vector<128x1024xf32>
      %dot_general3A_131 = arith.constant dense<0.000000e+00> : vector<128x1024xf32>
      %dot_general3A_132 = tpu.matmul %slice3A_124, %get3A_130, %dot_general3A_131 {dimension_numbers = #tpu.dot_dimension_numbers<[1], [0], [0], [1], [0, 0, 1, 1], [], []>, transpose_lhs_hint = false} : vector<128x128xf32>, vector<128x1024xf32>, vector<128x1024xf32> -> vector<128x1024xf32>
      %add3A_133 = arith.addf %add3A_123, %dot_general3A_132 : vector<128x1024xf32>
      %get3A_134 = arith.constant 0 : index
      %get3A_135 = arith.constant 0 : index
      %get3A_136 = arith.constant 0 : index
      %get3A_137 = vector.load %arg16[%get3A_134, %get3A_135, %get3A_136] : memref<1x1x1024xf32, #tpu.memory_space<vmem>>, vector<1x1x1024xf32>
      %get3A_138 = vector.shape_cast %get3A_137 : vector<1x1x1024xf32> to vector<1x1024xf32>
      %add3A_139 = vector.broadcast %get3A_138 : vector<1x1024xf32> to vector<128x1024xf32>
      %add3A_140 = arith.addf %add3A_133, %add3A_139 : vector<128x1024xf32>
      %swap3A = arith.index_cast %add3A : i32 to index
      %swap3A_141 = arith.constant 0 : index
      %swap3A_142 = vector.load %arg17[%swap3A, %swap3A_141] : memref<2688x1024xf32, #tpu.memory_space<vmem>>, vector<128x1024xf32>
      tpu.vector_store %arg17[%swap3A, %swap3A_141], %add3A_140 {strides = array<i32>} : memref<2688x1024xf32, #tpu.memory_space<vmem>>, vector<128x1024xf32>,
    } else {
    }
    return
  }
  func.func @transform_0(%arg0: i32, %arg1: i32, %arg2: memref<64xi32, #tpu.memory_space<smem>>, %arg3: memref<64xi32, #tpu.memory_space<smem>>) -> (i32, i32) {
    %c0_i32 = arith.constant 0 : i32
    %c0_i32_0 = arith.constant 0 : i32
    %c0_i32_1 = arith.constant 0 : i32
    return %c0_i32, %c0_i32_0 : i32, i32
  }
  func.func @transform_1(%arg0: i32, %arg1: i32, %arg2: memref<64xi32, #tpu.memory_space<smem>>, %arg3: memref<64xi32, #tpu.memory_space<smem>>) -> (i32, i32, i32, i32) {
    %c0_i32 = arith.constant 0 : i32
    %c0_i32_0 = arith.constant 0 : i32
    %c0_i32_1 = arith.constant 0 : i32
    %c0_i32_2 = arith.constant 0 : i32
    return %arg0, %c0_i32, %c0_i32_0, %c0_i32_1 : i32, i32, i32, i32
  }
  func.func @transform_2(%arg0: i32, %arg1: i32, %arg2: memref<64xi32, #tpu.memory_space<smem>>, %arg3: memref<64xi32, #tpu.memory_space<smem>>) -> (i32, i32, i32, i32) {
    %c1_i32 = arith.constant 1 : i32
    %c0_i32 = arith.constant 0 : i32
    %c0_i32_0 = arith.constant 0 : i32
    %c0_i32_1 = arith.constant 0 : i32
    return %arg0, %c1_i32, %c0_i32, %c0_i32_0 : i32, i32, i32, i32
  }
  func.func @transform_3(%arg0: i32, %arg1: i32, %arg2: memref<64xi32, #tpu.memory_space<smem>>, %arg3: memref<64xi32, #tpu.memory_space<smem>>) -> (i32, i32, i32, i32) {
    %c2_i32 = arith.constant 2 : i32
    %c0_i32 = arith.constant 0 : i32
    %c0_i32_0 = arith.constant 0 : i32
    %c0_i32_1 = arith.constant 0 : i32
    return %arg0, %c2_i32, %c0_i32, %c0_i32_0 : i32, i32, i32, i32
  }
  func.func @transform_4(%arg0: i32, %arg1: i32, %arg2: memref<64xi32, #tpu.memory_space<smem>>, %arg3: memref<64xi32, #tpu.memory_space<smem>>) -> (i32, i32, i32, i32) {
    %c3_i32 = arith.constant 3 : i32
    %c0_i32 = arith.constant 0 : i32
    %c0_i32_0 = arith.constant 0 : i32
    %c0_i32_1 = arith.constant 0 : i32
    return %arg0, %c3_i32, %c0_i32, %c0_i32_0 : i32, i32, i32, i32
  }
  func.func @transform_5(%arg0: i32, %arg1: i32, %arg2: memref<64xi32, #tpu.memory_space<smem>>, %arg3: memref<64xi32, #tpu.memory_space<smem>>) -> (i32, i32, i32) {
    %c0_i32 = arith.constant 0 : i32
    %c0_i32_0 = arith.constant 0 : i32
    %c0_i32_1 = arith.constant 0 : i32
    return %arg0, %c0_i32, %c0_i32_0 : i32, i32, i32
  }
  func.func @transform_6(%arg0: i32, %arg1: i32, %arg2: memref<64xi32, #tpu.memory_space<smem>>, %arg3: memref<64xi32, #tpu.memory_space<smem>>) -> (i32, i32, i32) {
    %c0_i32 = arith.constant 0 : i32
    %c0_i32_0 = arith.constant 0 : i32
    %c0_i32_1 = arith.constant 0 : i32
    return %arg0, %c0_i32, %c0_i32_0 : i32, i32, i32
  }
  func.func @transform_7(%arg0: i32, %arg1: i32, %arg2: memref<64xi32, #tpu.memory_space<smem>>, %arg3: memref<64xi32, #tpu.memory_space<smem>>) -> (i32, i32, i32) {
    %c0_i32 = arith.constant 0 : i32
    %c0_i32_0 = arith.constant 0 : i32
    %c0_i32_1 = arith.constant 0 : i32
    return %arg0, %c0_i32, %c0_i32_0 : i32, i32, i32
  }
  func.func @transform_8(%arg0: i32, %arg1: i32, %arg2: memref<64xi32, #tpu.memory_space<smem>>, %arg3: memref<64xi32, #tpu.memory_space<smem>>) -> (i32, i32, i32, i32) {
    %c0_i32 = arith.constant 0 : i32
    %c0_i32_0 = arith.constant 0 : i32
    %c0_i32_1 = arith.constant 0 : i32
    %c0_i32_2 = arith.constant 0 : i32
    return %arg0, %c0_i32, %c0_i32_0, %c0_i32_1 : i32, i32, i32, i32
  }
  func.func @transform_9(%arg0: i32, %arg1: i32, %arg2: memref<64xi32, #tpu.memory_space<smem>>, %arg3: memref<64xi32, #tpu.memory_space<smem>>) -> (i32, i32, i32, i32) {
    %c1_i32 = arith.constant 1 : i32
    %c0_i32 = arith.constant 0 : i32
    %c0_i32_0 = arith.constant 0 : i32
    %c0_i32_1 = arith.constant 0 : i32
    return %arg0, %c1_i32, %c0_i32, %c0_i32_0 : i32, i32, i32, i32
  }
  func.func @transform_10(%arg0: i32, %arg1: i32, %arg2: memref<64xi32, #tpu.memory_space<smem>>, %arg3: memref<64xi32, #tpu.memory_space<smem>>) -> (i32, i32, i32, i32) {
    %c2_i32 = arith.constant 2 : i32
    %c0_i32 = arith.constant 0 : i32
    %c0_i32_0 = arith.constant 0 : i32
    %c0_i32_1 = arith.constant 0 : i32
    return %arg0, %c2_i32, %c0_i32, %c0_i32_0 : i32, i32, i32, i32
  }
  func.func @transform_11(%arg0: i32, %arg1: i32, %arg2: memref<64xi32, #tpu.memory_space<smem>>, %arg3: memref<64xi32, #tpu.memory_space<smem>>) -> (i32, i32, i32, i32) {
    %c3_i32 = arith.constant 3 : i32
    %c0_i32 = arith.constant 0 : i32
    %c0_i32_0 = arith.constant 0 : i32
    %c0_i32_1 = arith.constant 0 : i32
    return %arg0, %c3_i32, %c0_i32, %c0_i32_0 : i32, i32, i32, i32
  }
  func.func @transform_12(%arg0: i32, %arg1: i32, %arg2: memref<64xi32, #tpu.memory_space<smem>>, %arg3: memref<64xi32, #tpu.memory_space<smem>>) -> (i32, i32, i32) {
    %c0_i32 = arith.constant 0 : i32
    %c0_i32_0 = arith.constant 0 : i32
    %c0_i32_1 = arith.constant 0 : i32
    return %arg0, %c0_i32, %c0_i32_0 : i32, i32, i32
  }
  func.func @transform_13(%arg0: i32, %arg1: i32, %arg2: memref<64xi32, #tpu.memory_space<smem>>, %arg3: memref<64xi32, #tpu.memory_space<smem>>) -> (i32, i32) {
    %c0_i32 = arith.constant 0 : i32
    %c0_i32_0 = arith.constant 0 : i32
    %c0_i32_1 = arith.constant 0 : i32
    return %c0_i32, %c0_i32_0 : i32, i32
  }
}

</mosaic_0001>

<sc_bundles>
// kernel: kernel.10.cloned.1.call-start
scs
__scs_entry_jumppad:
0x0: {  	(pc) =	sbr.rel $0x88, $3  }
0x1: {  	(tag) =	ssettag $0x0;
	lr =	simm.s32 $0x1  }
0x2: {  	[smem:$0x3F96] =	sst lr;
	_ =	strace $0xD0000000  }
0x3: {  	_ = 	snop  }
0x4: {  	_ = 	snop  }
0x5: {  	_ = 	snop  }
0x6: {  	_ = 	snop  }
0x7: {  	_ = 	snop  }
__scs_overlays_trampoline_lowered:
0x8: {  	[smem:$0x3FA5] =	sst s0  }
0x9: {  	[smem:$0x3FA6] =	sst s1  }
0xa: {  	[smem:$0x3FA7] =	sst s2  }
0xb: {  	[smem:$0x3FA8] =	sst s3  }
0xc: {  	[smem:$0x3FA9] =	sst s4  }
0xd: {  	[smem:$0x3FAA] =	sst s5  }
0xe: {  	[smem:$0x3FAB] =	sst s6  }
0xf: {  	[smem:$0x3FAC] =	sst s7  }
0x10: {  	[smem:$0x3FAD] =	sst s8  }
0x11: {  	[smem:$0x3FAE] =	sst s9;
	s0 =	simm.s32 @!p0 $0x0  }
0x12: {  	s1 =	sld [smem:$0x3F94];
	s0 =	simm.s32 @p0 $0x1  }
0x13: {  	[smem:$0x3FAF] =	sst s0;
	s0 =	simm.s32 @!p1 $0x0  }
0x14: {  	s2 =	sld [smem:$0x3F93];
	s0 =	simm.s32 @p1 $0x1  }
0x15: {  	[smem:$0x3FB0] =	sst s0;
	s0 =	simm.s32 @!p2 $0x0  }
0x16: {  	s3 =	sld [smem:$0x3FDB];
	s0 =	simm.s32 @p2 $0x1  }
0x17: {  	s4 =	simm.s32 $0x1BF5;
	[smem:$0x3FB2] =	sst s0  }
0x18: {  	s0 =	sld [smem:$0x3F95];
	_ =	swait.ge [sflag:s4], $0x0  }
0x19: {  	s7 =	sld [smem:$0x3F96]  }
0x1a: {  	s8 =	sadd.s32 $0xFFFFE003, lr  }
0x1b: {  	s9 =	sadd.s32 $0xFFFFFEF7, lr;
	s5 =	simm.s32 $0xFFFFFFFF;
	p2 =	slt.u32 s8, $0xFFFFF086  }
0x1c: {  	p1 =	slt.u32 s9, $0xF7A;
	s5 =	simm.s32 @!p2 $0x0  }
0x1d: {  	s5 =	simm.s32 @p1 $0x1;
	p0 =	seq.s32 s7, s2  }
0x1e: {  	s7 =	smul.u32 @!p0 $0xF7A, s2;
	p2 =	seq.s32 @!p0 s5, $0x0  }
0x1f: {  	s9 =	smul.u32 $0xF7A, s1;
	s8 =	simm.s32 @!p0 $0x1BF5;
	p2 =	por !p2, p0  }
0x20: {  	[sflag:s8] =	ssyncset.s32 @!p0 $0xFFFFF086;
	s6 =	sadd.s32 @!p0 s3, s7;
	s7 =	simm.s32 @!p0 $0x108  }
0x21: {  	s3 =	sadd.s32 s3, s9;
	s6 =	sadd.s32 @!p0 $0x88, s6;
	s7 =	simm.s32 @p2 $0x1082  }
0x22: {  	[simem:s7], [sflag:s8] =	dma.local @!p0 [hbm:s6], $0xF7A  }
0x23: {  	s9 =	sor.u32 $0xD0000000, s2;
	s6 =	simm.s32 $0x108;
	_ =	swait.ge @!p0 [sflag:s8], $0x0  }
0x24: {  	s3 =	sadd.s32 $0x88, s3;
	s6 =	simm.s32 @!p1 $0x1082;
	[sflag:s4] =	ssyncset.s32 $0xFFFFF086  }
0x25: {  	[simem:s6], [sflag:s4] =	dma.local [hbm:s3], $0xF7A  }
0x26: {  	[smem:$0x3F96] =	sst s1;
	(tag) =	ssettag s2;
	_ =	strace s9  }
0x27: {  	s1 =	sld [smem:$0x3FA6]  }
0x28: {  	s2 =	sld [smem:$0x3FA7]  }
0x29: {  	s4 =	sld [smem:$0x3FA9]  }
0x2a: {  	p0 =	seq.s32 s5, $0x0;
	s5 =	sld [smem:$0x3FAA]  }
0x2b: {  	s6 =	sld [smem:$0x3FAB]  }
0x2c: {  	s7 =	sld [smem:$0x3FAC]  }
0x2d: {  	s3 =	simm.s32 $0x108;
	s8 =	sld [smem:$0x3FAD]  }
0x2e: {  	s3 =	simm.s32 @!p0 $0x1082;
	s9 =	sld [smem:$0x3FAE]  }
0x2f: {  	lr =	sadd.s32 s0, s3;
	s0 =	sld [smem:$0x3FA5]  }
0x30: {  	s3 =	sld [smem:$0x3FA8]  }
0x31: {  	[smem:$0x3FB1] =	sst s10  }
0x32: {  	s10 =	sld [smem:$0x3FAF];
	_ =	sdelay $0x3  }
0x33: {  	p0 =	seq.s32 s10, $0x1;
	s10 =	sld [smem:$0x3FB1];
	_ =	sdelay $0x3  }
0x34: {  	[smem:$0x3FB1] =	sst s10  }
0x35: {  	s10 =	sld [smem:$0x3FB0];
	_ =	sdelay $0x3  }
0x36: {  	p1 =	seq.s32 s10, $0x1;
	s10 =	sld [smem:$0x3FB1];
	_ =	sdelay $0x3  }
0x37: {  	[smem:$0x3FB1] =	sst s10  }
0x38: {  	s10 =	sld [smem:$0x3FB2]  }
0x39: {  	_ = 	snop;
	(pc) =	sbr.ind lr, $3  }
0x3a: {  	_ = 	snop  }
0x3b: {  	_ = 	snop  }
0x3c: {  	p2 =	seq.s32 s10, $0x1;
	s10 =	sld [smem:$0x3FB1]  }
0x3d: {  	_ =	shalt  }
0x3e: {  	_ =	shalt  }
0x3f: {  	_ =	shalt  }
0x40: {  	_ =	shalt  }
0x41: {  	_ =	shalt  }
0x42: {  	_ =	shalt  }
0x43: {  	_ =	shalt  }
0x44: {  	_ =	shalt  }
0x45: {  	_ =	shalt  }
0x46: {  	_ =	shalt  }
0x47: {  	_ =	shalt  }
0x48: {  	_ =	shalt  }
0x49: {  	_ =	shalt  }
0x4a: {  	_ =	shalt  }
0x4b: {  	_ =	shalt  }
0x4c: {  	_ =	shalt  }
0x4d: {  	_ =	shalt  }
0x4e: {  	_ =	shalt  }
0x4f: {  	_ =	shalt  }
0x50: {  	_ =	shalt  }
0x51: {  	_ =	shalt  }
0x52: {  	_ =	shalt  }
0x53: {  	_ =	shalt  }
0x54: {  	_ =	shalt  }
0x55: {  	_ =	shalt  }
0x56: {  	_ =	shalt  }
0x57: {  	_ =	shalt  }
0x58: {  	_ =	shalt  }
0x59: {  	_ =	shalt  }
0x5a: {  	_ =	shalt  }
0x5b: {  	_ =	shalt  }
0x5c: {  	_ =	shalt  }
0x5d: {  	_ =	shalt  }
0x5e: {  	_ =	shalt  }
0x5f: {  	_ =	shalt  }
0x60: {  	_ =	shalt  }
0x61: {  	_ =	shalt  }
0x62: {  	_ =	shalt  }
0x63: {  	_ =	shalt  }
0x64: {  	_ =	shalt  }
0x65: {  	_ =	shalt  }
0x66: {  	_ =	shalt  }
0x67: {  	_ =	shalt  }
0x68: {  	_ =	shalt  }
0x69: {  	_ =	shalt  }
0x6a: {  	_ =	shalt  }
0x6b: {  	_ =	shalt  }
0x6c: {  	_ =	shalt  }
0x6d: {  	_ =	shalt  }
0x6e: {  	_ =	shalt  }
0x6f: {  	_ =	shalt  }
0x70: {  	_ =	shalt  }
0x71: {  	_ =	shalt  }
0x72: {  	_ =	shalt  }
0x73: {  	_ =	shalt  }
0x74: {  	_ =	shalt  }
0x75: {  	_ =	shalt  }
0x76: {  	_ =	shalt  }
0x77: {  	_ =	shalt  }
0x78: {  	_ =	shalt  }
0x79: {  	_ =	shalt  }
0x7a: {  	_ =	shalt  }
0x7b: {  	_ =	shalt  }
0x7c: {  	_ =	shalt  }
0x7d: {  	_ =	shalt  }
0x7e: {  	_ =	shalt  }
0x7f: {  	_ =	shalt  }
0x80: {  	_ =	shalt  }
0x81: {  	_ =	shalt  }
0x82: {  	_ =	shalt  }
0x83: {  	_ =	shalt  }
0x84: {  	_ =	shalt  }
0x85: {  	_ =	shalt  }
0x86: {  	_ =	shalt  }
0x87: {  	_ =	shalt  }
.Lfunc_end0:
.L_simem_size_0:
called_computation.1_lowered:
.L_overlay_start_0:
0x88: {  	s2 =	sld [smem:$0x3FD9]  }
0x89: {  	s3 =	sld [smem:$0x3FFE];
	_ =	sdelay $0x1  }
0x8a: {  	s1 =	srdreg.scid  }
0x8b: {  	s0 =	sand.u32 $0x1, s1  }
0x8c: {  	s14 =	sshll.u32 s0, $0xA;
	s2 =	sadd.s32 s3, s2  }
0x8d: {  	s2 =	sadd.s32 s2, s14  }
0x8e: {  	[smem:$0x3FBD] =	sst s2  }
0x8f: {  	_ = 	snop  }
0x90: {  	s2 =	sld [smem:$0x3FD0];
	_ =	sdelay $0x2  }
0x91: {  	s15 =	simm.s32 $0xA;
	s4 =	simm.s32 $0x10  }
0x92: {  	[smem:s4], [sflag:s15] =	dma.local [hbm:s2], $0x1  }
0x93: {  	_ =	swait.eq [sflag:s15], $0x1  }
0x94: {  	[sflag:s15] =	ssyncset.done $0x0  }
0x95: {  	[sflag:s15] =	ssyncadd.s32 $0xFFFFFFFF  }
0x96: {  	s16 =	sld [smem:$0x10];
	(tm) =	ssettm $0x1  }
0x97: {  	s17 =	sld [smem:$0x3FFB];
	_ =	sdelay $0x3  }
0x98: {  	_ =	strace s17  }
0x99: {  	s3 =	sld [smem:$0x3FFC];
	_ =	sdelay $0x3  }
0x9a: {  	_ =	strace s3  }
0x9b: {  	s3 =	sld [smem:$0x3FFD];
	_ =	sdelay $0x3  }
0x9c: {  	_ =	strace s3  }
0x9d: {  	_ =	strace $0x8FFFFFFF  }
0x9e: {  	s18 =	sld [smem:$0x3FDB];
	_ =	sdelay $0x1  }
0x9f: {  	s19 =	simm.s32 $_scs_section_size  }
0xa0: {  	s5 =	simm.s32 $_size__tile_overlayer_lowered;
	s6 =	simm.s32 $_tile_overlayer_lowered  }
0xa1: {  	s22 =	simm.s32 $0x1BFF;
	s21 =	sshll.u32 s6, $0x1;
	s3 =	sadd.s32 s19, s18  }
0xa2: {  	s7 =	simm.s32 $0x0;
	s20 =	sshll.u32 s5, $0x1;
	s5 =	sadd.s32 s21, s3  }
0xa3: {  	[timem:s7], [sflag:s22] =	dma.local [hbm:s5], s20  }
0xa4: {  	_ =	swait.ge [sflag:s22], s20  }
0xa5: {  	s4 =	ssub.s32 $0x0, s20;
	[sflag:s22] =	ssyncset.done $0x0  }
0xa6: {  	[sflag:s22] =	ssyncadd.s32 s4;
	_ =	sdelay $0x1  }
0xa7: {  	s23 =	simm.s32 $0x1B8B  }
0xa8: {  	_ =	swait.ge [sflag:s23], $0x1  }
0xa9: {  	[sflag:s23] =	ssyncset.done $0x0  }
0xaa: {  	s25 =	simm.s32 $0x1B8E;
	s24 =	sld [smem:$0x3FFE];
	[sflag:s23] =	ssyncadd.s32 $0xFFFFFFFF  }
0xab: {  	s26 =	simm.s32 $execute0_lowered;
	[smem:$0x3FD2] =	sst s25  }
0xac: {  	s5 =	sshll.u32 s26, $0x1;
	_ =	strace $0x80000049;
	[dreg:$0x1] =	wrdreg $0xFFFFFFFF  }
0xad: {  	s28 =	simm.s32 $_size_execute0_lowered;
	s3 =	sadd.s32 s3, s5;
	[dreg:$0x0] =	wrdreg $0x0  }
0xae: {  	s5 =	sshll.u32 s28, $0x1;
	[dreg:$0x2] =	wrdreg s3  }
0xaf: {  	[dreg:$0x3] =	wrdreg s5  }
0xb0: {  	[dreg:$0x4] =	wrdreg $0xC0  }
0xb1: {  	_ =	task [dreg:s7], $0x5FFFF  }
0xb2: {  	[dreg:$0x1] =	wrdreg $0xFFFFFFFF  }
0xb3: {  	[dreg:$0x0] =	wrdreg $0x60  }
0xb4: {  	[dreg:$0x2] =	wrdreg s24  }
0xb5: {  	[dreg:$0x3] =	wrdreg s16  }
0xb6: {  	[dreg:$0x4] =	wrdreg $0x9  }
0xb7: {  	_ =	task.clear_ibuf [dreg:s7], $0x5FFFF;
	_ =	strace $0x90000049  }
0xb8: {  	s29 =	simm.s32 $0x9;
	_ =	strace $0x8000004B  }
0xb9: {  	_ =	swait.ge [sflag:s29], $0x1  }
0xba: {  	[sflag:s29] =	ssyncadd.s32 $0xFFFFFFFF  }
0xbb: {  	_ =	strace $0x9000004B  }
0xbc: {  	_ =	sfence  }
0xbd: {  	s30 =	sld [smem:$0x0];
	_ =	sdelay $0x2  }
0xbe: {  	s31 =	sshll.u32 s1, $0xD;
	s1 =	sshrl.u32 s1, $0x2  }
0xbf: {  	s3 =	sand.u32 $0x4000, s31;
	s1 =	sadd.s32 s1, s30  }
0xc0: {  	s0 =	sor.u32 s3, s0;
	s1 =	sshll.u32 s1, $0x11  }
0xc1: {  	s0 =	sor.u32 s1, s0  }
0xc2: {  	s0 =	sadd.s32 $0x8F2B, s0  }
0xc3: {  	[sflag:s0] =	ssyncadd.remote.s32 $0x1  }
0xc4: {  	_ =	sfence.sel $0xFFFF  }
0xc5: {  	[dreg:$0x0] =	wrdreg $0xFFFFFFFF;
	(pc) =	sbr.abs _section_cstart, $3  }
0xc6: {  	[dreg:$0x1] =	wrdreg $0xFFFFFFFF  }
0xc7: {  	_ =	task.clear_ibuf [dreg:s7], $0x2FFFF;
	_ =	strace $0x9FFFFFFF  }
0xc8: {  	(tm) =	ssettm $0x7FFFFFFF  }
0xc9: {  	_ =	shalt  }
tec
execute0_lowered:
.L_overlay_start_1:
0x0: {  	(tag) =	ssettag $0x1  }
0x1: {  	s1 =	srdreg.scid;
	s6 =	rddreg [dreg:$0x0]  }
0x2: {  	s0 =	stileid.u32;
	s4 =	rddreg [dreg:$0x1]  }
0x3: {  	s16 =	simm.s32 $0x880;
	s17 =	simm.s32 $0x1080;
	s18 =	simm.s32 $0x1880  }
0x4: {  	s19 =	simm.s32 $0x2080;
	s21 =	simm.s32 $0x2880;
	s1 =	sand.u32 $0x1, s1  }
0x5: {  	s22 =	simm.s32 $0x3080;
	s2 =	sshll.u32 s0, $0x6;
	s3 =	sshll.u32 s1, $0x5  }
0x6: {  	s23 =	simm.s32 $0x3880;
	s3 =	sor.u32 s3, s2;
	s2 =	simm.s32 $0x0  }
0x7: {  	s24 =	simm.s32 $0x4080;
	s8 =	simm.s32 $0x4880;
	[smem:$0x7FF] =	sst s2  }
0x8: {  	s25 =	simm.s32 $0x5080;
	_ =	strace $0x8000004A;
	[dreg:$0x7] =	wrdreg s16  }
0x9: {  	s26 =	simm.s32 $0x5880;
	s9 =	simm.s32 $0x80;
	[dreg:$0x8] =	wrdreg s17  }
0xa: {  	s11 =	simm.s32 $0x6880;
	s12 =	simm.s32 $0x7080;
	[dreg:$0x9] =	wrdreg s18  }
0xb: {  	s13 =	simm.s32 $0x7880;
	s28 =	simm.s32 $0xE080;
	[dreg:$0xa] =	wrdreg s19  }
0xc: {  	s29 =	simm.s32 $0xE880;
	s30 =	simm.s32 $0xF080;
	[dreg:$0xb] =	wrdreg s21  }
0xd: {  	s31 =	simm.s32 $0xF880;
	s1 =	ssub.s32 $0x2, s1;
	[dreg:$0xc] =	wrdreg s22  }
0xe: {  	s20 =	sshrl.u32 s1, $0x1;
	s5 =	sshrl.u32 s3, $0x3;
	[dreg:$0xd] =	wrdreg s23  }
0xf: {  	s3 =	sshll.u32 s3, $0x7;
	s1 =	ssub.s32 s1, s20;
	[dreg:$0xe] =	wrdreg s24  }
0x10: {  	s20 =	simm.s32 $0xA880;
	s5 =	sadd.s32 s5, s6;
	[dreg:$0xf] =	wrdreg s8  }
0x11: {  	s14 =	sadd.s32 s3, s6;
	s3 =	sadd.s32 s4, s3;
	[dreg:$0x10] =	wrdreg s25  }
0x12: {  	s4 =	sadd.s32 $0xA900, s6;
	s8 =	simm.s32 $0x3;
	[dreg:$0x11] =	wrdreg s26  }
0x13: {  	s16 =	simm.s32 $0x8880;
	s17 =	simm.s32 $0x9080;
	s18 =	simm.s32 $0x9880  }
0x14: {  	s19 =	simm.s32 $0xA080;
	s21 =	simm.s32 $0xB080;
	s22 =	simm.s32 $0xB880  }
0x15: {  	s23 =	simm.s32 $0xC080;
	s24 =	simm.s32 $0xC880;
	s25 =	simm.s32 $0xD080  }
0x16: {  	s26 =	simm.s32 $0xD880;
	s7 =	sadd.s32 $0xA400, s5;
	[dreg:$0x5] =	wrdreg s3  }
0x17: {  	s5 =	sadd.s32 $0xA600, s5;
	s15 =	sadd.s32 $0x5E800, s14;
	[dreg:$0x3] =	wrdreg s7  }
0x18: {  	v2 =	vlaneseq.u32;
	s3 =	sadd.s32 $0xA800, s6;
	s14 =	simm.s32 $0x1;
	[dreg:$0x4] =	wrdreg s5  }
0x19: {  	vm0 =	vmmov $0xffff;
	v1 =	vshrl.u32 v2, $0x3;
	[dreg:$0x6] =	wrdreg s15;
	s5 =	sadd.s32 $0xAA00, s6;
	s6 =	sadd.s32 $0xAB00, s6  }
0x1a: {  	v0 =	vand.u32 $0x7, v2;
	v2 =	vor.u32 $0x8, v2;
	v1 =	vmul.u32 $0x8, v1;
	s7 =	smax.u32 s1, $0x1;
	s15 =	simm.s32 $0x8080;
	s1 =	simm.s32 $0x2  }
.LBB2_1:
0x1b: {  	s0 =	rddreg [dreg:$0x3]  }
0x1c: {  	[tilespmem:s2], [sflag:$0x3] =	stream.linear.gather [hbm4b:s0+s2], $0x20, $0x38;
	[tilespmem:$0x10080] =	vst v63  }
0x1d: {  	_ =	swait.ge [sflag:s8], $0x20  }
0x1e: {  	[sflag:s8] =	ssyncset.done $0x0  }
0x1f: {  	[sflag:s8] =	ssyncadd.s32 $0xFFFFFFE0  }
0x20: {  	v3 =	vld [tilespmem:$0x0];
	_ =	sdelay $0x4  }
0x21: {  	v4 =	vshll.u32 v3, $0x3  }
0x22: {  	v3 =	vand.u32 $0x7, v3;
	v4 =	vand.u32 $0xFFFFFFC0, v4  }
0x23: {  	v3 =	vor.u32 v3, v4  }
0x24: {  	v4 =	vperm.xlane v3, v0;
	_ =	sdelay $0x1  }
0x25: {  	v4 =	vadd.s32 v1, v4;
	_ =	sdelay $0x4  }
0x26: {  	[tilespmem:s9], [sflag:$0x1] =	stream.indirect_vreg.gather [hbm4b:s3+s2], $0x80, v4, vm0, $0xb8;
	[tilespmem:$0x10080] =	vst v63  }
0x27: {  	s0 =	rddreg [dreg:$0x7];
	v3 =	vperm.xlane v3, v2  }
0x28: {  	[tilespmem:s0], [sflag:$0x1] =	stream.indirect_vreg.gather [hbm4b:s4+s2], $0x80, v4, vm0, $0xb8;
	[tilespmem:$0x10080] =	vst v63  }
0x29: {  	s10 =	rddreg [dreg:$0x8];
	v3 =	vadd.s32 v1, v3  }
0x2a: {  	[tilespmem:s10], [sflag:$0x1] =	stream.indirect_vreg.gather [hbm4b:s5+s2], $0x80, v4, vm0, $0xb8;
	[tilespmem:$0x10080] =	vst v63  }
0x2b: {  	s0 =	rddreg [dreg:$0x9]  }
0x2c: {  	[tilespmem:s0], [sflag:$0x1] =	stream.indirect_vreg.gather [hbm4b:s6+s2], $0x80, v4, vm0, $0xb8;
	[tilespmem:$0x10080] =	vst v63  }
0x2d: {  	s10 =	rddreg [dreg:$0xa]  }
0x2e: {  	[tilespmem:s10], [sflag:$0x1] =	stream.indirect_vreg.gather [hbm4b:s3+s2], $0x80, v3, vm0, $0xb8;
	[tilespmem:$0x10080] =	vst v63  }
0x2f: {  	s0 =	rddreg [dreg:$0xb]  }
0x30: {  	[tilespmem:s0], [sflag:$0x1] =	stream.indirect_vreg.gather [hbm4b:s4+s2], $0x80, v3, vm0, $0xb8;
	[tilespmem:$0x10080] =	vst v63  }
0x31: {  	s10 =	rddreg [dreg:$0xc]  }
0x32: {  	[tilespmem:s10], [sflag:$0x1] =	stream.indirect_vreg.gather [hbm4b:s5+s2], $0x80, v3, vm0, $0xb8;
	[tilespmem:$0x10080] =	vst v63  }
0x33: {  	s0 =	rddreg [dreg:$0xd]  }
0x34: {  	[tilespmem:s0], [sflag:$0x1] =	stream.indirect_vreg.gather [hbm4b:s6+s2], $0x80, v3, vm0, $0xb8;
	[tilespmem:$0x10080] =	vst v63  }
0x35: {  	v3 =	vld [tilespmem:$0x10];
	_ =	sdelay $0x4  }
0x36: {  	v61 =	vshll.u32 v3, $0x3  }
0x37: {  	v3 =	vand.u32 $0x7, v3;
	v4 =	vand.u32 $0xFFFFFFC0, v61  }
0x38: {  	v3 =	vor.u32 v3, v4  }
0x39: {  	v4 =	vperm.xlane v3, v0;
	_ =	sdelay $0x1  }
0x3a: {  	v4 =	vadd.s32 v1, v4;
	_ =	sdelay $0x3  }
0x3b: {  	s0 =	rddreg [dreg:$0xe]  }
0x3c: {  	[tilespmem:s0], [sflag:$0x1] =	stream.indirect_vreg.gather [hbm4b:s3+s2], $0x80, v4, vm0, $0xb8;
	[tilespmem:$0x10080] =	vst v63  }
0x3d: {  	s10 =	rddreg [dreg:$0xf];
	v3 =	vperm.xlane v3, v2  }
0x3e: {  	[tilespmem:s10], [sflag:$0x1] =	stream.indirect_vreg.gather [hbm4b:s4+s2], $0x80, v4, vm0, $0xb8;
	[tilespmem:$0x10080] =	vst v63  }
0x3f: {  	v3 =	vadd.s32 v1, v3;
	s0 =	rddreg [dreg:$0x10]  }
0x40: {  	[tilespmem:s0], [sflag:$0x1] =	stream.indirect_vreg.gather [hbm4b:s5+s2], $0x80, v4, vm0, $0xb8;
	[tilespmem:$0x10080] =	vst v63  }
0x41: {  	s10 =	rddreg [dreg:$0x11]  }
0x42: {  	[tilespmem:s10], [sflag:$0x1] =	stream.indirect_vreg.gather [hbm4b:s6+s2], $0x80, v4, vm0, $0xb8;
	[tilespmem:$0x10080] =	vst v63  }
0x43: {  	s10 =	simm.s32 $0x6080  }
0x44: {  	[tilespmem:s10], [sflag:$0x1] =	stream.indirect_vreg.gather [hbm4b:s3+s2], $0x80, v3, vm0, $0xb8;
	[tilespmem:$0x10080] =	vst v63  }
0x45: {  	_ = 	snop  }
0x46: {  	[tilespmem:s11], [sflag:$0x1] =	stream.indirect_vreg.gather [hbm4b:s4+s2], $0x80, v3, vm0, $0xb8;
	[tilespmem:$0x10080] =	vst v63  }
0x47: {  	_ = 	snop  }
0x48: {  	[tilespmem:s12], [sflag:$0x1] =	stream.indirect_vreg.gather [hbm4b:s5+s2], $0x80, v3, vm0, $0xb8;
	[tilespmem:$0x10080] =	vst v63  }
0x49: {  	_ = 	snop  }
0x4a: {  	[tilespmem:s13], [sflag:$0x1] =	stream.indirect_vreg.gather [hbm4b:s6+s2], $0x80, v3, vm0, $0xb8;
	[tilespmem:$0x10080] =	vst v63  }
0x4b: {  	_ =	swait.ge [sflag:s14], $0x8000  }
0x4c: {  	[sflag:s14] =	ssyncset.done $0x0  }
0x4d: {  	s10 =	rddreg [dreg:$0x4];
	[sflag:s14] =	ssyncadd.s32 $0xFFFF8000  }
0x4e: {  	[tilespmem:s2], [sflag:$0x3] =	stream.linear.gather [hbm4b:s10+s2], $0x20, $0x38;
	[tilespmem:$0x10080] =	vst v63  }
0x4f: {  	_ =	swait.ge [sflag:s8], $0x20  }
0x50: {  	[sflag:s8] =	ssyncset.done $0x0  }
0x51: {  	[sflag:s8] =	ssyncadd.s32 $0xFFFFFFE0  }
0x52: {  	v3 =	vld [tilespmem:$0x0];
	_ =	sdelay $0x4  }
0x53: {  	v62 =	vshll.u32 v3, $0x3  }
0x54: {  	v3 =	vand.u32 $0x7, v3;
	v4 =	vand.u32 $0xFFFFFFC0, v62  }
0x55: {  	v3 =	vor.u32 v3, v4  }
0x56: {  	v4 =	vperm.xlane v3, v0;
	_ =	sdelay $0x1  }
0x57: {  	v4 =	vadd.s32 v1, v4;
	_ =	sdelay $0x4  }
0x58: {  	[tilespmem:s15], [sflag:$0x2] =	stream.indirect_vreg.gather [hbm4b:s3+s2], $0x80, v4, vm0, $0xb8;
	[tilespmem:$0x10080] =	vst v63  }
0x59: {  	v3 =	vperm.xlane v3, v2  }
0x5a: {  	[tilespmem:s16], [sflag:$0x2] =	stream.indirect_vreg.gather [hbm4b:s4+s2], $0x80, v4, vm0, $0xb8;
	[tilespmem:$0x10080] =	vst v63  }
0x5b: {  	v3 =	vadd.s32 v1, v3  }
0x5c: {  	[tilespmem:s17], [sflag:$0x2] =	stream.indirect_vreg.gather [hbm4b:s5+s2], $0x80, v4, vm0, $0xb8;
	[tilespmem:$0x10080] =	vst v63  }
0x5d: {  	_ = 	snop  }
0x5e: {  	[tilespmem:s18], [sflag:$0x2] =	stream.indirect_vreg.gather [hbm4b:s6+s2], $0x80, v4, vm0, $0xb8;
	[tilespmem:$0x10080] =	vst v63  }
0x5f: {  	_ = 	snop  }
0x60: {  	[tilespmem:s19], [sflag:$0x2] =	stream.indirect_vreg.gather [hbm4b:s3+s2], $0x80, v3, vm0, $0xb8;
	[tilespmem:$0x10080] =	vst v63  }
0x61: {  	_ = 	snop  }
0x62: {  	[tilespmem:s20], [sflag:$0x2] =	stream.indirect_vreg.gather [hbm4b:s4+s2], $0x80, v3, vm0, $0xb8;
	[tilespmem:$0x10080] =	vst v63  }
0x63: {  	_ = 	snop  }
0x64: {  	[tilespmem:s21], [sflag:$0x2] =	stream.indirect_vreg.gather [hbm4b:s5+s2], $0x80, v3, vm0, $0xb8;
	[tilespmem:$0x10080] =	vst v63  }
0x65: {  	_ = 	snop  }
0x66: {  	[tilespmem:s22], [sflag:$0x2] =	stream.indirect_vreg.gather [hbm4b:s6+s2], $0x80, v3, vm0, $0xb8;
	[tilespmem:$0x10080] =	vst v63  }
0x67: {  	v3 =	vld [tilespmem:$0x10];
	_ =	sdelay $0x4  }
0x68: {  	v63 =	vshll.u32 v3, $0x3  }
0x69: {  	v3 =	vand.u32 $0x7, v3;
	v4 =	vand.u32 $0xFFFFFFC0, v63  }
0x6a: {  	v3 =	vor.u32 v3, v4  }
0x6b: {  	v4 =	vperm.xlane v3, v0;
	_ =	sdelay $0x1  }
0x6c: {  	v4 =	vadd.s32 v1, v4;
	_ =	sdelay $0x4  }
0x6d: {  	[tilespmem:s23], [sflag:$0x2] =	stream.indirect_vreg.gather [hbm4b:s3+s2], $0x80, v4, vm0, $0xb8;
	[tilespmem:$0x10080] =	vst v63  }
0x6e: {  	v3 =	vperm.xlane v3, v2  }
0x6f: {  	[tilespmem:s24], [sflag:$0x2] =	stream.indirect_vreg.gather [hbm4b:s4+s2], $0x80, v4, vm0, $0xb8;
	[tilespmem:$0x10080] =	vst v63  }
0x70: {  	v3 =	vadd.s32 v1, v3  }
0x71: {  	[tilespmem:s25], [sflag:$0x2] =	stream.indirect_vreg.gather [hbm4b:s5+s2], $0x80, v4, vm0, $0xb8;
	[tilespmem:$0x10080] =	vst v63  }
0x72: {  	_ = 	snop  }
0x73: {  	[tilespmem:s26], [sflag:$0x2] =	stream.indirect_vreg.gather [hbm4b:s6+s2], $0x80, v4, vm0, $0xb8;
	[tilespmem:$0x10080] =	vst v63  }
0x74: {  	_ = 	snop  }
0x75: {  	[tilespmem:s28], [sflag:$0x2] =	stream.indirect_vreg.gather [hbm4b:s3+s2], $0x80, v3, vm0, $0xb8;
	[tilespmem:$0x10080] =	vst v63  }
0x76: {  	_ = 	snop  }
0x77: {  	[tilespmem:s29], [sflag:$0x2] =	stream.indirect_vreg.gather [hbm4b:s4+s2], $0x80, v3, vm0, $0xb8;
	[tilespmem:$0x10080] =	vst v63  }
0x78: {  	_ = 	snop  }
0x79: {  	[tilespmem:s30], [sflag:$0x2] =	stream.indirect_vreg.gather [hbm4b:s5+s2], $0x80, v3, vm0, $0xb8;
	[tilespmem:$0x10080] =	vst v63  }
0x7a: {  	_ = 	snop  }
0x7b: {  	[tilespmem:s31], [sflag:$0x2] =	stream.indirect_vreg.gather [hbm4b:s6+s2], $0x80, v3, vm0, $0xb8;
	[tilespmem:$0x10080] =	vst v63  }
0x7c: {  	_ =	swait.ge [sflag:s1], $0x8000  }
0x7d: {  	[sflag:s1] =	ssyncset.done $0x0  }
0x7e: {  	s10 =	rddreg [dreg:$0x5];
	[sflag:s1] =	ssyncadd.s32 $0xFFFF8000  }
0x7f: {  	[hbm4b:s10+s2] =	stream.linear.scatter [tilespmem:s9], [sflag:$0x3], $0x8000, $0x38;
	[tilespmem:$0x10080] =	vst v63  }
0x80: {  	_ =	swait.ge [sflag:s8], $0x8000  }
0x81: {  	p0 =	sne.s32 s7, $0x1;
	[sflag:s8] =	ssyncset.done $0x0  }
.Ltmp0:
0x82: {  	s10 =	rddreg [dreg:$0x6];
	[sflag:s8] =	ssyncadd.s32 $0xFFFF8000;
	(pc) =	sbr.rel @p0 .LBB2_1-.Ltmp0, $4  }
0x83: {  	[hbm4b:s10+s2] =	stream.linear.scatter [tilespmem:s15], [sflag:$0x3], $0x8000, $0x38;
	[tilespmem:$0x10080] =	vst v63  }
0x84: {  	_ =	swait.ge [sflag:s8], $0x8000  }
0x85: {  	[sflag:s8] =	ssyncset.done $0x0  }
0x86: {  	s7 =	sadd.s32 $0xFFFFFFFF, s7;
	[sflag:s8] =	ssyncadd.s32 $0xFFFF8000  }
0x87: {  	_ =	sfence.sel $0x180000  }
0x88: {  	[bflag:$0x0] =	sbarrier.arrive $0xFFFF  }
0x89: {  	_ =	strace $0x9000004A  }
0x8a: {  	s0 =	stileid.u32;
	[bflag:$0x2] =	sbarrier.arrive $0xFFFF  }
0x8b: {  	p0 =	sne.s32 s0, $0x0;
	s0 =	rddreg [dreg:$0x2]  }
0x8c: {  	s0 =	sadd.s32 @!p0 $0x100000, s0  }
0x8d: {  	[sflag:s0] =	ssyncadd.tile.s32 @!p0 $0x1;
	_ =	shalt  }
.Lfunc_end2:
_tile_overlayer_lowered:
.L_overlay_start_2:
0x8e: {  	(tag) =	ssettag $0x2  }
0x8f: {  	s0 =	rddreg [dreg:$0x0];
	s2 =	stileid.u32  }
0x90: {  	s1 =	rddreg [dreg:$0x1];
	p0 =	sne.s32 s2, $0x0  }
0x91: {  	s3 =	rddreg [dreg:$0x2];
	[bflag:$0x3] =	sbarrier.arrive $0xFFFF;
	s2 =	simm.s32 @!p0 $0x1C03  }
0x92: {  	[timem:s3], [sflag:s2] =	dma.local @!p0 [hbm:s0], s1  }
0x93: {  	s0 =	simm.s32 @!p0 $0x3  }
0x94: {  	_ =	swait.ge @!p0 [sflag:s0], s1  }
0x95: {  	s1 =	ssub.s32 @!p0 $0x0, s1;
	[sflag:s0] =	ssyncset.done @!p0 $0x0  }
0x96: {  	[sflag:s0] =	ssyncadd.s32 @!p0 s1  }
0x97: {  	[bflag:$0x3] =	sbarrier.arrive $0xFFFF  }
0x98: {  	_ =	shalt  }

// kernel: kernel.7.cloned.1.call-start
scs
__scs_entry_jumppad:
0x0: {  	(pc) =	sbr.rel $0x88, $3  }
0x1: {  	(tag) =	ssettag $0x0;
	lr =	simm.s32 $0x1  }
0x2: {  	[smem:$0x3F96] =	sst lr;
	_ =	strace $0xD0000000  }
0x3: {  	_ = 	snop  }
0x4: {  	_ = 	snop  }
0x5: {  	_ = 	snop  }
0x6: {  	_ = 	snop  }
0x7: {  	_ = 	snop  }
__scs_overlays_trampoline_lowered:
0x8: {  	[smem:$0x3FA5] =	sst s0  }
0x9: {  	[smem:$0x3FA6] =	sst s1  }
0xa: {  	[smem:$0x3FA7] =	sst s2  }
0xb: {  	[smem:$0x3FA8] =	sst s3  }
0xc: {  	[smem:$0x3FA9] =	sst s4  }
0xd: {  	[smem:$0x3FAA] =	sst s5  }
0xe: {  	[smem:$0x3FAB] =	sst s6  }
0xf: {  	[smem:$0x3FAC] =	sst s7  }
0x10: {  	[smem:$0x3FAD] =	sst s8  }
0x11: {  	[smem:$0x3FAE] =	sst s9;
	s0 =	simm.s32 @!p0 $0x0  }
0x12: {  	s1 =	sld [smem:$0x3F94];
	s0 =	simm.s32 @p0 $0x1  }
0x13: {  	[smem:$0x3FAF] =	sst s0;
	s0 =	simm.s32 @!p1 $0x0  }
0x14: {  	s2 =	sld [smem:$0x3F93];
	s0 =	simm.s32 @p1 $0x1  }
0x15: {  	[smem:$0x3FB0] =	sst s0;
	s0 =	simm.s32 @!p2 $0x0  }
0x16: {  	s3 =	sld [smem:$0x3FDB];
	s0 =	simm.s32 @p2 $0x1  }
0x17: {  	s4 =	simm.s32 $0x1BF5;
	[smem:$0x3FB2] =	sst s0  }
0x18: {  	s0 =	sld [smem:$0x3F95];
	_ =	swait.ge [sflag:s4], $0x0  }
0x19: {  	s7 =	sld [smem:$0x3F96]  }
0x1a: {  	s8 =	sadd.s32 $0xFFFFE003, lr  }
0x1b: {  	s9 =	sadd.s32 $0xFFFFFEF7, lr;
	s5 =	simm.s32 $0xFFFFFFFF;
	p2 =	slt.u32 s8, $0xFFFFF086  }
0x1c: {  	p1 =	slt.u32 s9, $0xF7A;
	s5 =	simm.s32 @!p2 $0x0  }
0x1d: {  	s5 =	simm.s32 @p1 $0x1;
	p0 =	seq.s32 s7, s2  }
0x1e: {  	s7 =	smul.u32 @!p0 $0xF7A, s2;
	p2 =	seq.s32 @!p0 s5, $0x0  }
0x1f: {  	s9 =	smul.u32 $0xF7A, s1;
	s8 =	simm.s32 @!p0 $0x1BF5;
	p2 =	por !p2, p0  }
0x20: {  	[sflag:s8] =	ssyncset.s32 @!p0 $0xFFFFF086;
	s6 =	sadd.s32 @!p0 s3, s7;
	s7 =	simm.s32 @!p0 $0x108  }
0x21: {  	s3 =	sadd.s32 s3, s9;
	s6 =	sadd.s32 @!p0 $0x88, s6;
	s7 =	simm.s32 @p2 $0x1082  }
0x22: {  	[simem:s7], [sflag:s8] =	dma.local @!p0 [hbm:s6], $0xF7A  }
0x23: {  	s9 =	sor.u32 $0xD0000000, s2;
	s6 =	simm.s32 $0x108;
	_ =	swait.ge @!p0 [sflag:s8], $0x0  }
0x24: {  	s3 =	sadd.s32 $0x88, s3;
	s6 =	simm.s32 @!p1 $0x1082;
	[sflag:s4] =	ssyncset.s32 $0xFFFFF086  }
0x25: {  	[simem:s6], [sflag:s4] =	dma.local [hbm:s3], $0xF7A  }
0x26: {  	[smem:$0x3F96] =	sst s1;
	(tag) =	ssettag s2;
	_ =	strace s9  }
0x27: {  	s1 =	sld [smem:$0x3FA6]  }
0x28: {  	s2 =	sld [smem:$0x3FA7]  }
0x29: {  	s4 =	sld [smem:$0x3FA9]  }
0x2a: {  	p0 =	seq.s32 s5, $0x0;
	s5 =	sld [smem:$0x3FAA]  }
0x2b: {  	s6 =	sld [smem:$0x3FAB]  }
0x2c: {  	s7 =	sld [smem:$0x3FAC]  }
0x2d: {  	s3 =	simm.s32 $0x108;
	s8 =	sld [smem:$0x3FAD]  }
0x2e: {  	s3 =	simm.s32 @!p0 $0x1082;
	s9 =	sld [smem:$0x3FAE]  }
0x2f: {  	lr =	sadd.s32 s0, s3;
	s0 =	sld [smem:$0x3FA5]  }
0x30: {  	s3 =	sld [smem:$0x3FA8]  }
0x31: {  	[smem:$0x3FB1] =	sst s10  }
0x32: {  	s10 =	sld [smem:$0x3FAF];
	_ =	sdelay $0x3  }
0x33: {  	p0 =	seq.s32 s10, $0x1;
	s10 =	sld [smem:$0x3FB1];
	_ =	sdelay $0x3  }
0x34: {  	[smem:$0x3FB1] =	sst s10  }
0x35: {  	s10 =	sld [smem:$0x3FB0];
	_ =	sdelay $0x3  }
0x36: {  	p1 =	seq.s32 s10, $0x1;
	s10 =	sld [smem:$0x3FB1];
	_ =	sdelay $0x3  }
0x37: {  	[smem:$0x3FB1] =	sst s10  }
0x38: {  	s10 =	sld [smem:$0x3FB2]  }
0x39: {  	_ = 	snop;
	(pc) =	sbr.ind lr, $3  }
0x3a: {  	_ = 	snop  }
0x3b: {  	_ = 	snop  }
0x3c: {  	p2 =	seq.s32 s10, $0x1;
	s10 =	sld [smem:$0x3FB1]  }
0x3d: {  	_ =	shalt  }
0x3e: {  	_ =	shalt  }
0x3f: {  	_ =	shalt  }
0x40: {  	_ =	shalt  }
0x41: {  	_ =	shalt  }
0x42: {  	_ =	shalt  }
0x43: {  	_ =	shalt  }
0x44: {  	_ =	shalt  }
0x45: {  	_ =	shalt  }
0x46: {  	_ =	shalt  }
0x47: {  	_ =	shalt  }
0x48: {  	_ =	shalt  }
0x49: {  	_ =	shalt  }
0x4a: {  	_ =	shalt  }
0x4b: {  	_ =	shalt  }
0x4c: {  	_ =	shalt  }
0x4d: {  	_ =	shalt  }
0x4e: {  	_ =	shalt  }
0x4f: {  	_ =	shalt  }
0x50: {  	_ =	shalt  }
0x51: {  	_ =	shalt  }
0x52: {  	_ =	shalt  }
0x53: {  	_ =	shalt  }
0x54: {  	_ =	shalt  }
0x55: {  	_ =	shalt  }
0x56: {  	_ =	shalt  }
0x57: {  	_ =	shalt  }
0x58: {  	_ =	shalt  }
0x59: {  	_ =	shalt  }
0x5a: {  	_ =	shalt  }
0x5b: {  	_ =	shalt  }
0x5c: {  	_ =	shalt  }
0x5d: {  	_ =	shalt  }
0x5e: {  	_ =	shalt  }
0x5f: {  	_ =	shalt  }
0x60: {  	_ =	shalt  }
0x61: {  	_ =	shalt  }
0x62: {  	_ =	shalt  }
0x63: {  	_ =	shalt  }
0x64: {  	_ =	shalt  }
0x65: {  	_ =	shalt  }
0x66: {  	_ =	shalt  }
0x67: {  	_ =	shalt  }
0x68: {  	_ =	shalt  }
0x69: {  	_ =	shalt  }
0x6a: {  	_ =	shalt  }
0x6b: {  	_ =	shalt  }
0x6c: {  	_ =	shalt  }
0x6d: {  	_ =	shalt  }
0x6e: {  	_ =	shalt  }
0x6f: {  	_ =	shalt  }
0x70: {  	_ =	shalt  }
0x71: {  	_ =	shalt  }
0x72: {  	_ =	shalt  }
0x73: {  	_ =	shalt  }
0x74: {  	_ =	shalt  }
0x75: {  	_ =	shalt  }
0x76: {  	_ =	shalt  }
0x77: {  	_ =	shalt  }
0x78: {  	_ =	shalt  }
0x79: {  	_ =	shalt  }
0x7a: {  	_ =	shalt  }
0x7b: {  	_ =	shalt  }
0x7c: {  	_ =	shalt  }
0x7d: {  	_ =	shalt  }
0x7e: {  	_ =	shalt  }
0x7f: {  	_ =	shalt  }
0x80: {  	_ =	shalt  }
0x81: {  	_ =	shalt  }
0x82: {  	_ =	shalt  }
0x83: {  	_ =	shalt  }
0x84: {  	_ =	shalt  }
0x85: {  	_ =	shalt  }
0x86: {  	_ =	shalt  }
0x87: {  	_ =	shalt  }
.Lfunc_end0:
.L_simem_size_0:
called_computation_lowered:
.L_overlay_start_0:
0x88: {  	s2 =	sld [smem:$0x3FD9]  }
0x89: {  	s3 =	sld [smem:$0x3FFE];
	_ =	sdelay $0x1  }
0x8a: {  	s1 =	srdreg.scid  }
0x8b: {  	s0 =	sand.u32 $0x1, s1  }
0x8c: {  	s17 =	sshll.u32 s0, $0xA;
	s2 =	sadd.s32 s3, s2  }
0x8d: {  	s2 =	sadd.s32 s2, s17  }
0x8e: {  	[smem:$0x3FBD] =	sst s2  }
0x8f: {  	_ = 	snop  }
0x90: {  	s2 =	sld [smem:$0x3FC9];
	(tm) =	ssettm $0x1  }
0x91: {  	s18 =	sld [smem:$0x3FFB];
	_ =	sdelay $0x3  }
0x92: {  	_ =	strace s18  }
0x93: {  	s3 =	sld [smem:$0x3FFC];
	_ =	sdelay $0x3  }
0x94: {  	_ =	strace s3  }
0x95: {  	s3 =	sld [smem:$0x3FFD];
	_ =	sdelay $0x3  }
0x96: {  	_ =	strace s3  }
0x97: {  	_ =	strace $0x8FFFFFFF  }
0x98: {  	s19 =	sld [smem:$0x3FDB];
	_ =	sdelay $0x1  }
0x99: {  	s4 =	simm.s32 $_scs_section_size  }
0x9a: {  	s5 =	simm.s32 $_size__tile_overlayer_lowered;
	s6 =	simm.s32 $_tile_overlayer_lowered  }
0x9b: {  	s22 =	simm.s32 $0x1BFF;
	s21 =	sshll.u32 s6, $0x1;
	s3 =	sadd.s32 s4, s19  }
0x9c: {  	s7 =	simm.s32 $0x0;
	s20 =	sshll.u32 s5, $0x1;
	s5 =	sadd.s32 s21, s3  }
0x9d: {  	[timem:s7], [sflag:s22] =	dma.local [hbm:s5], s20  }
0x9e: {  	_ =	swait.ge [sflag:s22], s20  }
0x9f: {  	s4 =	ssub.s32 $0x0, s20;
	[sflag:s22] =	ssyncset.done $0x0  }
0xa0: {  	[sflag:s22] =	ssyncadd.s32 s4;
	_ =	sdelay $0x1  }
0xa1: {  	s23 =	simm.s32 $0x1B8B  }
0xa2: {  	_ =	swait.ge [sflag:s23], $0x1  }
0xa3: {  	[sflag:s23] =	ssyncset.done $0x0  }
0xa4: {  	s25 =	simm.s32 $0x1B8E;
	s24 =	sld [smem:$0x3FFE];
	[sflag:s23] =	ssyncadd.s32 $0xFFFFFFFF  }
0xa5: {  	s26 =	simm.s32 $execute0_lowered;
	[smem:$0x3FD2] =	sst s25  }
0xa6: {  	s5 =	sshll.u32 s26, $0x1;
	_ =	strace $0x80000046;
	[dreg:$0x1] =	wrdreg $0xFFFFFFFF  }
0xa7: {  	s28 =	simm.s32 $_size_execute0_lowered;
	s3 =	sadd.s32 s3, s5;
	[dreg:$0x0] =	wrdreg $0x0  }
0xa8: {  	s5 =	sshll.u32 s28, $0x1;
	[dreg:$0x2] =	wrdreg s3  }
0xa9: {  	[dreg:$0x3] =	wrdreg s5  }
0xaa: {  	[dreg:$0x4] =	wrdreg $0xC0  }
0xab: {  	_ =	task [dreg:s7], $0x5FFFF  }
0xac: {  	[dreg:$0x1] =	wrdreg $0xFFFFFFFF  }
0xad: {  	[dreg:$0x0] =	wrdreg $0x60  }
0xae: {  	[dreg:$0x2] =	wrdreg s24  }
0xaf: {  	[dreg:$0x3] =	wrdreg s2  }
0xb0: {  	[dreg:$0x4] =	wrdreg $0x9  }
0xb1: {  	_ =	task.clear_ibuf [dreg:s7], $0x5FFFF;
	_ =	strace $0x90000046  }
0xb2: {  	s29 =	simm.s32 $0x9;
	_ =	strace $0x80000048  }
0xb3: {  	_ =	swait.ge [sflag:s29], $0x1  }
0xb4: {  	[sflag:s29] =	ssyncadd.s32 $0xFFFFFFFF  }
0xb5: {  	_ =	strace $0x90000048  }
0xb6: {  	_ =	sfence  }
0xb7: {  	s30 =	sld [smem:$0x0];
	_ =	sdelay $0x2  }
0xb8: {  	s31 =	sshll.u32 s1, $0xD;
	s1 =	sshrl.u32 s1, $0x2  }
0xb9: {  	s3 =	sand.u32 $0x4000, s31;
	s1 =	sadd.s32 s1, s30  }
0xba: {  	s0 =	sor.u32 s3, s0;
	s1 =	sshll.u32 s1, $0x11  }
0xbb: {  	s0 =	sor.u32 s1, s0  }
0xbc: {  	s0 =	sadd.s32 $0x8F2B, s0  }
0xbd: {  	[sflag:s0] =	ssyncadd.remote.s32 $0x1  }
0xbe: {  	_ =	sfence.sel $0xFFFF  }
0xbf: {  	[dreg:$0x0] =	wrdreg $0xFFFFFFFF;
	(pc) =	sbr.abs _section_cstart, $3  }
0xc0: {  	[dreg:$0x1] =	wrdreg $0xFFFFFFFF  }
0xc1: {  	_ =	task.clear_ibuf [dreg:s7], $0x2FFFF;
	_ =	strace $0x9FFFFFFF  }
0xc2: {  	(tm) =	ssettm $0x7FFFFFFF  }
0xc3: {  	_ =	shalt  }
tec
execute0_lowered:
.L_overlay_start_1:
0x0: {  	(tag) =	ssettag $0x1  }
0x1: {  	s9 =	rddreg [dreg:$0x0]  }
0x2: {  	s6 =	rddreg [dreg:$0x1];
	s2 =	srdreg.scid  }
0x3: {  	s0 =	rddreg [dreg:$0x2];
	s1 =	stileid.u32;
	s11 =	simm.s32 $0x2  }
0x4: {  	s12 =	simm.s32 $0x80;
	s13 =	simm.s32 $0x100;
	s14 =	simm.s32 $0x900  }
0x5: {  	s15 =	simm.s32 $0x1100;
	s16 =	simm.s32 $0x1900;
	s17 =	simm.s32 $0x2100  }
0x6: {  	s18 =	simm.s32 $0x2900;
	s19 =	simm.s32 $0x3100;
	s20 =	simm.s32 $0x3900  }
0x7: {  	s21 =	simm.s32 $0x4100;
	s22 =	simm.s32 $0x4900;
	s23 =	simm.s32 $0x5100  }
0x8: {  	s24 =	simm.s32 $0x5900;
	s28 =	simm.s32 $0x7100;
	s29 =	simm.s32 $0x7900  }
0x9: {  	s30 =	simm.s32 $0x1;
	s3 =	sand.u32 $0x1, s2;
	s2 =	simm.s32 $0x0  }
0xa: {  	s4 =	sshll.u32 s1, $0x6;
	s5 =	sshll.u32 s3, $0x5;
	[smem:$0x7FF] =	sst s2  }
0xb: {  	s25 =	ssub.s32 $0x2, s3;
	s3 =	sadd.s32 $0xA800, s9;
	s7 =	sor.u32 s5, s4  }
0xc: {  	_ =	strace $0x80000047;
	s31 =	sshrl.u32 s25, $0x1;
	s26 =	sshrl.u32 s7, $0x3  }
0xd: {  	s10 =	ssub.s32 s25, s31;
	s7 =	sshll.u32 s7, $0x7;
	s25 =	simm.s32 $0x6100  }
0xe: {  	v2 =	vlaneseq.u32;
	s8 =	sadd.s32 s26, s9;
	s6 =	sadd.s32 s6, s7;
	s7 =	sadd.s32 $0xA900, s9  }
0xf: {  	vm0 =	vmmov $0xffff;
	v1 =	vshrl.u32 v2, $0x3;
	s10 =	smax.u32 s10, $0x1;
	s26 =	simm.s32 $0x6900;
	s4 =	sadd.s32 $0xA400, s8  }
0x10: {  	v0 =	vand.u32 $0x7, v2;
	v2 =	vor.u32 $0x8, v2;
	v1 =	vmul.u32 $0x8, v1;
	s5 =	sadd.s32 $0xA600, s8;
	s8 =	sadd.s32 $0xAA00, s9;
	s9 =	sadd.s32 $0xAB00, s9  }
.LBB2_1:
0x11: {  	[tilespmem:s2], [sflag:$0x2] =	stream.linear.gather [hbm4b:s4+s2], $0x20, $0x38;
	[tilespmem:$0x8100] =	vst v63  }
0x12: {  	_ =	swait.ge [sflag:s11], $0x20  }
0x13: {  	[sflag:s11] =	ssyncset.done $0x0  }
0x14: {  	[sflag:s11] =	ssyncadd.s32 $0xFFFFFFE0  }
0x15: {  	[tilespmem:s12], [sflag:$0x2] =	stream.linear.gather [hbm4b:s5+s2], $0x20, $0x38;
	[tilespmem:$0x8100] =	vst v63  }
0x16: {  	_ =	swait.ge [sflag:s11], $0x20  }
0x17: {  	[sflag:s11] =	ssyncset.done $0x0  }
0x18: {  	[sflag:s11] =	ssyncadd.s32 $0xFFFFFFE0  }
0x19: {  	[tilespmem:s13], [sflag:$0x2] =	stream.linear.gather [hbm4b:s6+s2], $0x8000, $0x38;
	[tilespmem:$0x8100] =	vst v63  }
0x1a: {  	_ =	swait.ge [sflag:s11], $0x8000  }
0x1b: {  	[sflag:s11] =	ssyncset.done $0x0  }
0x1c: {  	[sflag:s11] =	ssyncadd.s32 $0xFFFF8000  }
0x1d: {  	v3 =	vld [tilespmem:$0x0];
	_ =	sdelay $0x4  }
0x1e: {  	v4 =	vshll.u32 v3, $0x3  }
0x1f: {  	v3 =	vand.u32 $0x7, v3;
	v4 =	vand.u32 $0xFFFFFFC0, v4  }
0x20: {  	v3 =	vor.u32 v3, v4  }
0x21: {  	v4 =	vperm.xlane v3, v0;
	_ =	sdelay $0x1  }
0x22: {  	v4 =	vadd.s32 v1, v4;
	_ =	sdelay $0x4  }
0x23: {  	[hbm4b:s3+s2] =	stream.indirect_vreg.scatter [tilespmem:s13], [sflag:$0x1], $0x80, v4, vm0, $0xb8;
	[tilespmem:$0x8100] =	vst v63  }
0x24: {  	v3 =	vperm.xlane v3, v2  }
0x25: {  	[hbm4b:s7+s2] =	stream.indirect_vreg.scatter [tilespmem:s14], [sflag:$0x1], $0x80, v4, vm0, $0xb8;
	[tilespmem:$0x8100] =	vst v63  }
0x26: {  	v3 =	vadd.s32 v1, v3  }
0x27: {  	[hbm4b:s8+s2] =	stream.indirect_vreg.scatter [tilespmem:s15], [sflag:$0x1], $0x80, v4, vm0, $0xb8;
	[tilespmem:$0x8100] =	vst v63  }
0x28: {  	_ = 	snop  }
0x29: {  	[hbm4b:s9+s2] =	stream.indirect_vreg.scatter [tilespmem:s16], [sflag:$0x1], $0x80, v4, vm0, $0xb8;
	[tilespmem:$0x8100] =	vst v63  }
0x2a: {  	_ = 	snop  }
0x2b: {  	[hbm4b:s3+s2] =	stream.indirect_vreg.scatter [tilespmem:s17], [sflag:$0x1], $0x80, v3, vm0, $0xb8;
	[tilespmem:$0x8100] =	vst v63  }
0x2c: {  	_ = 	snop  }
0x2d: {  	[hbm4b:s7+s2] =	stream.indirect_vreg.scatter [tilespmem:s18], [sflag:$0x1], $0x80, v3, vm0, $0xb8;
	[tilespmem:$0x8100] =	vst v63  }
0x2e: {  	_ = 	snop  }
0x2f: {  	[hbm4b:s8+s2] =	stream.indirect_vreg.scatter [tilespmem:s19], [sflag:$0x1], $0x80, v3, vm0, $0xb8;
	[tilespmem:$0x8100] =	vst v63  }
0x30: {  	_ = 	snop  }
0x31: {  	[hbm4b:s9+s2] =	stream.indirect_vreg.scatter [tilespmem:s20], [sflag:$0x1], $0x80, v3, vm0, $0xb8;
	[tilespmem:$0x8100] =	vst v63  }
0x32: {  	v3 =	vld [tilespmem:$0x10];
	_ =	sdelay $0x4  }
0x33: {  	v61 =	vshll.u32 v3, $0x3  }
0x34: {  	v3 =	vand.u32 $0x7, v3;
	v4 =	vand.u32 $0xFFFFFFC0, v61  }
0x35: {  	v3 =	vor.u32 v3, v4  }
0x36: {  	v4 =	vperm.xlane v3, v0;
	_ =	sdelay $0x1  }
0x37: {  	v4 =	vadd.s32 v1, v4;
	_ =	sdelay $0x4  }
0x38: {  	[hbm4b:s3+s2] =	stream.indirect_vreg.scatter [tilespmem:s21], [sflag:$0x1], $0x80, v4, vm0, $0xb8;
	[tilespmem:$0x8100] =	vst v63  }
0x39: {  	v3 =	vperm.xlane v3, v2  }
0x3a: {  	[hbm4b:s7+s2] =	stream.indirect_vreg.scatter [tilespmem:s22], [sflag:$0x1], $0x80, v4, vm0, $0xb8;
	[tilespmem:$0x8100] =	vst v63  }
0x3b: {  	v3 =	vadd.s32 v1, v3  }
0x3c: {  	[hbm4b:s8+s2] =	stream.indirect_vreg.scatter [tilespmem:s23], [sflag:$0x1], $0x80, v4, vm0, $0xb8;
	[tilespmem:$0x8100] =	vst v63  }
0x3d: {  	_ = 	snop  }
0x3e: {  	[hbm4b:s9+s2] =	stream.indirect_vreg.scatter [tilespmem:s24], [sflag:$0x1], $0x80, v4, vm0, $0xb8;
	[tilespmem:$0x8100] =	vst v63  }
0x3f: {  	_ = 	snop  }
0x40: {  	[hbm4b:s3+s2] =	stream.indirect_vreg.scatter [tilespmem:s25], [sflag:$0x1], $0x80, v3, vm0, $0xb8;
	[tilespmem:$0x8100] =	vst v63  }
0x41: {  	_ = 	snop  }
0x42: {  	[hbm4b:s7+s2] =	stream.indirect_vreg.scatter [tilespmem:s26], [sflag:$0x1], $0x80, v3, vm0, $0xb8;
	[tilespmem:$0x8100] =	vst v63  }
0x43: {  	_ = 	snop  }
0x44: {  	[hbm4b:s8+s2] =	stream.indirect_vreg.scatter [tilespmem:s28], [sflag:$0x1], $0x80, v3, vm0, $0xb8;
	[tilespmem:$0x8100] =	vst v63  }
0x45: {  	_ = 	snop  }
0x46: {  	[hbm4b:s9+s2] =	stream.indirect_vreg.scatter [tilespmem:s29], [sflag:$0x1], $0x80, v3, vm0, $0xb8;
	[tilespmem:$0x8100] =	vst v63  }
0x47: {  	_ =	swait.ge [sflag:s30], $0x8000  }
0x48: {  	[sflag:s30] =	ssyncset.done $0x0  }
0x49: {  	[sflag:s30] =	ssyncadd.s32 $0xFFFF8000  }
0x4a: {  	v3 =	vld [tilespmem:$0x80];
	_ =	sdelay $0x4  }
0x4b: {  	v62 =	vshll.u32 v3, $0x3  }
0x4c: {  	v3 =	vand.u32 $0x7, v3;
	v4 =	vand.u32 $0xFFFFFFC0, v62  }
0x4d: {  	v3 =	vor.u32 v3, v4  }
0x4e: {  	v4 =	vperm.xlane v3, v0;
	_ =	sdelay $0x1  }
0x4f: {  	v4 =	vadd.s32 v1, v4;
	_ =	sdelay $0x4  }
0x50: {  	[hbm4b:s3+s2] =	stream.indirect_vreg.scatter [tilespmem:s13], [sflag:$0x1], $0x80, v4, vm0, $0xb8;
	[tilespmem:$0x8100] =	vst v63  }
0x51: {  	v3 =	vperm.xlane v3, v2  }
0x52: {  	[hbm4b:s7+s2] =	stream.indirect_vreg.scatter [tilespmem:s14], [sflag:$0x1], $0x80, v4, vm0, $0xb8;
	[tilespmem:$0x8100] =	vst v63  }
0x53: {  	v3 =	vadd.s32 v1, v3  }
0x54: {  	[hbm4b:s8+s2] =	stream.indirect_vreg.scatter [tilespmem:s15], [sflag:$0x1], $0x80, v4, vm0, $0xb8;
	[tilespmem:$0x8100] =	vst v63  }
0x55: {  	_ = 	snop  }
0x56: {  	[hbm4b:s9+s2] =	stream.indirect_vreg.scatter [tilespmem:s16], [sflag:$0x1], $0x80, v4, vm0, $0xb8;
	[tilespmem:$0x8100] =	vst v63  }
0x57: {  	_ = 	snop  }
0x58: {  	[hbm4b:s3+s2] =	stream.indirect_vreg.scatter [tilespmem:s17], [sflag:$0x1], $0x80, v3, vm0, $0xb8;
	[tilespmem:$0x8100] =	vst v63  }
0x59: {  	_ = 	snop  }
0x5a: {  	[hbm4b:s7+s2] =	stream.indirect_vreg.scatter [tilespmem:s18], [sflag:$0x1], $0x80, v3, vm0, $0xb8;
	[tilespmem:$0x8100] =	vst v63  }
0x5b: {  	_ = 	snop  }
0x5c: {  	[hbm4b:s8+s2] =	stream.indirect_vreg.scatter [tilespmem:s19], [sflag:$0x1], $0x80, v3, vm0, $0xb8;
	[tilespmem:$0x8100] =	vst v63  }
0x5d: {  	_ = 	snop  }
0x5e: {  	[hbm4b:s9+s2] =	stream.indirect_vreg.scatter [tilespmem:s20], [sflag:$0x1], $0x80, v3, vm0, $0xb8;
	[tilespmem:$0x8100] =	vst v63  }
0x5f: {  	v3 =	vld [tilespmem:$0x90];
	_ =	sdelay $0x4  }
0x60: {  	v63 =	vshll.u32 v3, $0x3  }
0x61: {  	v3 =	vand.u32 $0x7, v3;
	v4 =	vand.u32 $0xFFFFFFC0, v63  }
0x62: {  	v3 =	vor.u32 v3, v4  }
0x63: {  	v4 =	vperm.xlane v3, v0;
	_ =	sdelay $0x1  }
0x64: {  	v4 =	vadd.s32 v1, v4;
	_ =	sdelay $0x4  }
0x65: {  	[hbm4b:s3+s2] =	stream.indirect_vreg.scatter [tilespmem:s21], [sflag:$0x1], $0x80, v4, vm0, $0xb8;
	[tilespmem:$0x8100] =	vst v63  }
0x66: {  	v3 =	vperm.xlane v3, v2  }
0x67: {  	[hbm4b:s7+s2] =	stream.indirect_vreg.scatter [tilespmem:s22], [sflag:$0x1], $0x80, v4, vm0, $0xb8;
	[tilespmem:$0x8100] =	vst v63  }
0x68: {  	v3 =	vadd.s32 v1, v3  }
0x69: {  	[hbm4b:s8+s2] =	stream.indirect_vreg.scatter [tilespmem:s23], [sflag:$0x1], $0x80, v4, vm0, $0xb8;
	[tilespmem:$0x8100] =	vst v63  }
0x6a: {  	_ = 	snop  }
0x6b: {  	[hbm4b:s9+s2] =	stream.indirect_vreg.scatter [tilespmem:s24], [sflag:$0x1], $0x80, v4, vm0, $0xb8;
	[tilespmem:$0x8100] =	vst v63  }
0x6c: {  	_ = 	snop  }
0x6d: {  	[hbm4b:s3+s2] =	stream.indirect_vreg.scatter [tilespmem:s25], [sflag:$0x1], $0x80, v3, vm0, $0xb8;
	[tilespmem:$0x8100] =	vst v63  }
0x6e: {  	_ = 	snop  }
0x6f: {  	[hbm4b:s7+s2] =	stream.indirect_vreg.scatter [tilespmem:s26], [sflag:$0x1], $0x80, v3, vm0, $0xb8;
	[tilespmem:$0x8100] =	vst v63  }
0x70: {  	p0 =	sne.s32 s10, $0x1  }
0x71: {  	[hbm4b:s8+s2] =	stream.indirect_vreg.scatter [tilespmem:s28], [sflag:$0x1], $0x80, v3, vm0, $0xb8;
	[tilespmem:$0x8100] =	vst v63  }
.Ltmp0:
0x72: {  	_ = 	snop;
	(pc) =	sbr.rel @p0 .LBB2_1-.Ltmp0, $4  }
0x73: {  	[hbm4b:s9+s2] =	stream.indirect_vreg.scatter [tilespmem:s29], [sflag:$0x1], $0x80, v3, vm0, $0xb8;
	[tilespmem:$0x8100] =	vst v63  }
0x74: {  	_ =	swait.ge [sflag:s30], $0x8000  }
0x75: {  	[sflag:s30] =	ssyncset.done $0x0  }
0x76: {  	s10 =	sadd.s32 $0xFFFFFFFF, s10;
	[sflag:s30] =	ssyncadd.s32 $0xFFFF8000  }
0x77: {  	_ =	sfence.sel $0x180000  }
0x78: {  	[bflag:$0x0] =	sbarrier.arrive $0xFFFF  }
0x79: {  	p0 =	sne.s32 s1, $0x0;
	_ =	strace $0x90000047  }
0x7a: {  	s0 =	sadd.s32 @!p0 $0x100000, s0;
	[bflag:$0x2] =	sbarrier.arrive $0xFFFF  }
0x7b: {  	[sflag:s0] =	ssyncadd.tile.s32 @!p0 $0x1;
	_ =	shalt  }
.Lfunc_end2:
_tile_overlayer_lowered:
.L_overlay_start_2:
0x7c: {  	(tag) =	ssettag $0x2  }
0x7d: {  	s0 =	rddreg [dreg:$0x0];
	s2 =	stileid.u32  }
0x7e: {  	s1 =	rddreg [dreg:$0x1];
	p0 =	sne.s32 s2, $0x0  }
0x7f: {  	s3 =	rddreg [dreg:$0x2];
	[bflag:$0x3] =	sbarrier.arrive $0xFFFF;
	s2 =	simm.s32 @!p0 $0x1C02  }
0x80: {  	[timem:s3], [sflag:s2] =	dma.local @!p0 [hbm:s0], s1  }
0x81: {  	s0 =	simm.s32 @!p0 $0x2  }
0x82: {  	_ =	swait.ge @!p0 [sflag:s0], s1  }
0x83: {  	s1 =	ssub.s32 @!p0 $0x0, s1;
	[sflag:s0] =	ssyncset.done @!p0 $0x0  }
0x84: {  	[sflag:s0] =	ssyncadd.s32 @!p0 s1  }
0x85: {  	[bflag:$0x3] =	sbarrier.arrive $0xFFFF  }
0x86: {  	_ =	shalt  }

</sc_bundles>
